<compile_context>
chip_gen: v7x
topology: tpu7x:2x2x1
jax: 0.10.2.dev20260603
libtpu: 0.0.44.dev20260713+nightly
codegen_flags: <defaults>
</compile_context>

<pallas_src>
import functools

import jax
import jax.numpy as jnp
from jax import lax
from jax.experimental import pallas as pl
from jax.experimental.pallas import tpu as pltpu
from jax.experimental.pallas import tpu_sc as plsc

N = 10000
E = 160000
NC = 2
NS = 16
NW = NC * NS
EPW = E // NW
CH = 128
NCHUNK = 40
DEPTH = 2
NSUB = 4
SUB = CH // NSUB
EPT = NCHUNK * CH
NPAD = 10240
RPT = NPAD // NS
ZR = 128
DUMMY = N + 16

_mesh = plsc.VectorSubcoreMesh(core_axis_name="c", subcore_axis_name="s")

_IN_BOUNDS = lax.GatherScatterMode.PROMISE_IN_BOUNDS


_GDN = lax.GatherDimensionNumbers(
    offset_dims=(), collapsed_slice_dims=(0,), start_index_map=(0,))


def _bcast_lane(vec, l):
  idx = jnp.full((16, 1), l, jnp.int32)
  return lax.gather(vec, idx, dimension_numbers=_GDN, slice_sizes=(1,),
                    mode=_IN_BOUNDS)


@functools.partial(jax.jit, static_argnames=("fa",))
def _edge_phase(xt, srcE, dstE, aE, u, v, *, fa):
  CPF = fa // 16

  @functools.partial(
      pl.kernel,
      out_type=jax.ShapeDtypeStruct((NC, NPAD, 128), jnp.float32),
      mesh=_mesh,
      scratch_types=[
          pltpu.VMEM((NCHUNK, CH), jnp.int32),
          pltpu.VMEM((NCHUNK, CH), jnp.int32),
          pltpu.VMEM((NCHUNK, CH), jnp.float32),
          pltpu.VMEM((DEPTH, CH, 128), jnp.float32),
          pltpu.VMEM((128,), jnp.float32),
          pltpu.VMEM((128,), jnp.float32),
          pltpu.VMEM_SHARED((NPAD, 128), jnp.float32),
          pltpu.SemaphoreType.DMA,
          pltpu.SemaphoreType.DMA,
      ],
  )
  def k(x_hbm, src_hbm, dst_hbm, a_hbm, u_hbm, v_hbm, out_hbm,
        src_v, dst_v, a_v, gring, u_v, v_v, agg_sh, sem, sem_s):
    cid = lax.axis_index("c")
    sid = lax.axis_index("s")
    wid = cid * NS + sid

    pltpu.sync_copy(src_hbm.at[wid], src_v)
    pltpu.sync_copy(dst_hbm.at[wid], dst_v)
    pltpu.sync_copy(a_hbm.at[wid], a_v)
    pltpu.sync_copy(u_hbm, u_v)
    pltpu.sync_copy(v_hbm, v_v)

    zeros16 = jnp.zeros((16,), jnp.float32)

    @pl.loop(0, CH)
    def _(r):
      for c in range(8):
        gring[0, r, pl.ds(c * 16, 16)] = zeros16

    for z in range(RPT // CH):
      pltpu.sync_copy(gring.at[0], agg_sh.at[pl.ds(sid * RPT + z * CH, CH)])
    plsc.subcore_barrier()

    u_regs = [u_v[pl.ds(c * 16, 16)] for c in range(CPF)]
    v_regs = [v_v[pl.ds(c * 16, 16)] for c in range(CPF)]

    @pl.loop(0, NCHUNK + DEPTH)
    def _(j):
      @pl.when(j >= DEPTH)
      def _():
        jp = j - DEPTH
        pltpu.make_async_copy(
            gring.at[jp % DEPTH], agg_sh.at[dst_v.at[jp]], sem_s).wait()

      @pl.when(j < NCHUNK)
      def _():
        for q in range(NSUB):
          pltpu.async_copy(
              x_hbm.at[src_v.at[j].at[pl.ds(q * SUB, SUB)]],
              gring.at[j % DEPTH].at[pl.ds(q * SUB, SUB)], sem)

      @pl.when(jnp.logical_and(j >= DEPTH - 1, j < NCHUNK + DEPTH - 1))
      def _():
        jj = j - (DEPTH - 1)
        gbuf = gring.at[jj % DEPTH]
        for q in range(NSUB):
          pltpu.make_async_copy(
              x_hbm.at[src_v.at[jj].at[pl.ds(q * SUB, SUB)]],
              gbuf.at[pl.ds(q * SUB, SUB)], sem).wait()

        @plsc.parallel_loop(0, CH // 16)
        def _(g16):
          av = a_v[jj, pl.ds(g16 * 16, 16)]

          @plsc.parallel_loop(0, 16, unroll=4)
          def _(l):
            e = g16 * 16 + l
            ab = _bcast_lane(av, l)
            for c in range(CPF):
              g = gbuf[e, pl.ds(c * 16, 16)]
              gbuf[e, pl.ds(c * 16, 16)] = jnp.maximum(
                  g + ab * u_regs[c] + v_regs[c], 0.0)

        pltpu.async_copy(gbuf, agg_sh.at[dst_v.at[jj]], sem_s, add=True)

    plsc.subcore_barrier()
    for z in range(RPT // ZR):
      base = sid * RPT + z * ZR
      pltpu.sync_copy(agg_sh.at[pl.ds(base, ZR)],
                      out_hbm.at[cid, pl.ds(base, ZR)])

  return k(xt, srcE, dstE, aE, u, v)


@jax.jit
def _edge_decode(tab, srcD, dstD, coef):
  @functools.partial(
      pl.kernel,
      out_type=jax.ShapeDtypeStruct((NW, NCHUNK, CH), jnp.float32),
      mesh=_mesh,
      compiler_params=pltpu.CompilerParams(needs_layout_passes=False),
      scratch_types=[
          pltpu.VMEM((N,), jnp.float32),
          pltpu.VMEM((NCHUNK, CH), jnp.int32),
          pltpu.VMEM((NCHUNK, CH), jnp.int32),
          pltpu.VMEM((NCHUNK, CH), jnp.float32),
          pltpu.VMEM((48,), jnp.float32),
      ],
  )
  def k(tab_hbm, src_hbm, dst_hbm, coef_hbm, out_hbm,
        tab_v, src_v, dst_v, o_v, coef_v):
    cid = lax.axis_index("c")
    sid = lax.axis_index("s")
    wid = cid * NS + sid

    pltpu.sync_copy(tab_hbm, tab_v)
    pltpu.sync_copy(src_hbm.at[wid], src_v)
    pltpu.sync_copy(dst_hbm.at[wid], dst_v)
    pltpu.sync_copy(coef_hbm, coef_v)
    w0 = coef_v[pl.ds(0, 16)]
    w1 = coef_v[pl.ds(16, 16)]
    b = coef_v[pl.ds(32, 16)]

    @plsc.parallel_loop(0, NCHUNK)
    def _(j):
      for g in range(CH // 16):
        si = src_v[j, pl.ds(g * 16, 16)]
        di = dst_v[j, pl.ds(g * 16, 16)]
        gs = plsc.load_gather(tab_v, [si])
        gd = plsc.load_gather(tab_v, [di])
        o_v[j, pl.ds(g * 16, 16)] = gs * w0 + gd * w1 + b

    pltpu.sync_copy(o_v, out_hbm.at[wid])

  return k(tab, srcD, dstD, coef)


_BR = 1000


@functools.partial(jax.jit, static_argnames=("mode",))
def _dense(x, agg, W, brow, mode, bias_nodes=None):
  K, Fo = W.shape

  XB = x.shape[1]

  def body(*refs):
    if bias_nodes is None:
      x_ref, agg_ref, w_ref, b_ref, out_ref = refs
      extra = b_ref[...]
    else:
      x_ref, agg_ref, w_ref, b_ref, bn_ref, out_ref = refs
      extra = b_ref[...] + bn_ref[...]
    s = (x_ref[...] + agg_ref[0] + agg_ref[1])[:, :K]
    z = jnp.dot(s, w_ref[...], preferred_element_type=jnp.float32) + extra
    if mode == "relu":
      z = jnp.maximum(z, 0.0)
    elif mode == "relu2":
      z = jnp.maximum(z + z, 0.0)
    out_ref[...] = z

  in_specs = [
      pl.BlockSpec((_BR, XB), lambda i: (i, 0)),
      pl.BlockSpec((NC, _BR, XB), lambda i: (0, i, 0)),
      pl.BlockSpec((K, Fo), lambda i: (0, 0)),
      pl.BlockSpec((1, Fo), lambda i: (0, 0)),
  ]
  ins = [x, agg, W, brow.reshape(1, Fo)]
  if bias_nodes is not None:
    in_specs.append(pl.BlockSpec((_BR, Fo), lambda i: (i, 0)))
    ins.append(bias_nodes)

  return pl.pallas_call(
      body,
      grid=(N // _BR,),
      in_specs=in_specs,
      out_specs=pl.BlockSpec((_BR, Fo), lambda i: (i, 0)),
      out_shape=jax.ShapeDtypeStruct((N, Fo), jnp.float32),
  )(*ins)


@jax.jit
def _proj_combo(x0, agg, pw, pb, rw, rb):
  def body(x_ref, agg_ref, pw_ref, pb_ref, rw_ref, rb_ref, it_ref, rbias_ref):
    s = agg_ref[0] + agg_ref[1]
    t0 = x_ref[...] + s[:, 0:1]
    tl = x_ref[...] + s[:, 1:2]
    it_ref[...] = jnp.maximum(t0 * pw_ref[...] + pb_ref[...], 0.0)
    rbias_ref[...] = tl * rw_ref[...] + rb_ref[...]

  return pl.pallas_call(
      body,
      grid=(N // _BR,),
      in_specs=[
          pl.BlockSpec((_BR, 1), lambda i: (i, 0)),
          pl.BlockSpec((NC, _BR, 128), lambda i: (0, i, 0)),
          pl.BlockSpec((1, 128), lambda i: (0, 0)),
          pl.BlockSpec((1, 128), lambda i: (0, 0)),
          pl.BlockSpec((1, 128), lambda i: (0, 0)),
          pl.BlockSpec((1, 128), lambda i: (0, 0)),
      ],
      out_specs=[
          pl.BlockSpec((_BR, 128), lambda i: (i, 0)),
          pl.BlockSpec((_BR, 128), lambda i: (i, 0)),
      ],
      out_shape=[
          jax.ShapeDtypeStruct((N, 128), jnp.float32),
          jax.ShapeDtypeStruct((N, 128), jnp.float32),
      ],
  )(x0, agg, pw, pb, rw, rb)


def _pad_edges(arr, fill):
  return jnp.pad(arr.reshape(NW, EPW), ((0, 0), (0, EPT - EPW)),
                 constant_values=fill).reshape(NW, NCHUNK, CH)


def _pad128(vec):
  return jnp.zeros((128,), jnp.float32).at[: vec.shape[0]].set(vec)


def kernel(x, edge_index, edge_attr, params):
  p = params
  a = edge_attr[:, 0]
  src = edge_index[0]
  dst = edge_index[1]
  em_w = p["em_w"]
  em_b = p["em_b"]

  def uv(name):
    lw = p[name + "_lin_w"]
    lb = p[name + "_lin_b"]
    return (em_w @ lw)[0], em_b @ lw + lb

  u_p, v_p = uv("proj")
  u_r, v_r = uv("rec")
  u11, v11 = uv("b1c1")
  u12, v12 = uv("b1c2")
  u21, v21 = uv("b2c1")
  u22, v22 = uv("b2c2")
  uh1, vh1 = uv("h1")
  uh2, vh2 = uv("h2")
  uh3, vh3 = uv("h3")

  f32 = jnp.float32
  z128 = jnp.zeros((128,), f32)
  u16 = z128.at[0].set(u_p[0]).at[1].set(u_r[128])
  v16 = z128.at[0].set(v_p[0]).at[1].set(v_r[128])
  uh3p = _pad128(uh3)
  vh3p = _pad128(vh3)
  W2p = jnp.zeros((32, 128), f32).at[:, :8].set(p["h2_nn_w"])
  b2p = _pad128(p["h2_nn_b"])
  W3p = jnp.zeros((16, 1), f32).at[:8].set(p["h3_nn_w"])
  b3 = p["h3_nn_b"]
  Wh1p = jnp.zeros((128, 128), f32).at[:, :32].set(p["h1_nn_w"])
  bh1p = _pad128(p["h1_nn_b"])

  x_init = jnp.zeros((N, 128), f32).at[:, 0].set(x[:, 0]).at[:, 1].set(x[:, 0])

  perm = jnp.argsort(src)
  srcE = _pad_edges(src[perm], 0)
  dstE = _pad_edges(dst[perm], DUMMY)
  aE = _pad_edges(a[perm], 0.0)
  srcD = _pad_edges(src, 0)
  dstD = _pad_edges(dst, 0)
  ones16 = jnp.ones((16,), f32)
  coef = jnp.concatenate(
      [p["dec_w"][0, 0] * ones16, p["dec_w"][1, 0] * ones16,
       p["dec_b"][0] * ones16])

  Wr = p["rec_nn_w"][:128]
  rw_row = p["rec_nn_w"][128:129]
  rb_row = p["rec_nn_b"].reshape(1, 128)
  u_r128 = u_r[:128]
  v_r128 = v_r[:128]
  zeros128 = z128

  agg = _edge_phase(x_init, srcE, dstE, aE, u16, v16, fa=16)
  it, rec_bias = _proj_combo(x, agg, p["proj_nn_w"],
                             p["proj_nn_b"].reshape(1, 128), rw_row, rb_row)

  preds = []
  for _ in range(5):
    agg = _edge_phase(it, srcE, dstE, aE, u_r128, v_r128, fa=128)
    it = _dense(it, agg, Wr, zeros128, "plain", bias_nodes=rec_bias)
    agg = _edge_phase(it, srcE, dstE, aE, u11, v11, fa=128)
    o = _dense(it, agg, p["b1c1_nn_w"], p["b1c1_nn_b"], "relu")
    agg = _edge_phase(o, srcE, dstE, aE, u12, v12, fa=128)
    it = _dense(o, agg, p["b1c2_nn_w"], p["b1c2_nn_b"], "relu2")
    agg = _edge_phase(it, srcE, dstE, aE, u21, v21, fa=128)
    o = _dense(it, agg, p["b2c1_nn_w"], p["b2c1_nn_b"], "relu")
    agg = _edge_phase(o, srcE, dstE, aE, u22, v22, fa=128)
    it = _dense(o, agg, p["b2c2_nn_w"], p["b2c2_nn_b"], "relu2")
    agg = _edge_phase(it, srcE, dstE, aE, uh1, vh1, fa=128)
    h = _dense(it, agg, Wh1p, bh1p, "relu")
    agg = _edge_phase(h, srcE, dstE, aE, _pad128(uh2), _pad128(vh2), fa=32)
    h2o = _dense(h, agg, W2p, b2p, "relu")
    agg = _edge_phase(h2o, srcE, dstE, aE, uh3p, vh3p, fa=16)
    on = _dense(h2o, agg, W3p, b3, "plain")
    pr = _edge_decode(on.reshape(N), srcD, dstD, coef)
    preds.append(pr.reshape(NW, EPT)[:, :EPW].reshape(E, 1))

  return jnp.stack(preds, axis=1), it

# --- scband reference (transcript-rebuilt; emitter-appended) ---
"""Pipeline reference for scband-gnndtnet-58179626991931 (READ-ONLY COPY).

The authoritative reference and input builder live on the scoring server;
editing this copy changes nothing except your own understanding.
"""

import jax, jax.numpy as jnp
import numpy as np

N_NODES = 10000
N_EDGES = 160000
WIDTH = 128
ITERS = 5

_SPECS = [('em', 1, 128), ('proj_lin', 128, 1), ('proj_nn', 1, 128), ('rec_lin', 128, 129), ('rec_nn', 129, 128), ('b1c1_lin', 128, 128), ('b1c1_nn', 128, 128), ('b1c2_lin', 128, 128), ('b1c2_nn', 128, 128), ('b2c1_lin', 128, 128), ('b2c1_nn', 128, 128), ('b2c2_lin', 128, 128), ('b2c2_nn', 128, 128), ('h1_lin', 128, 128), ('h1_nn', 128, 32), ('h2_lin', 128, 32), ('h2_nn', 32, 8), ('h3_lin', 128, 8), ('h3_nn', 8, 1), ('dec', 2, 1)]


def _make_params(key):
    params = {}
    for i, (name, fi, fo) in enumerate(_SPECS):
        k1, k2 = jax.random.split(jax.random.fold_in(key, i))
        s = 1.0 / np.sqrt(fi)
        params[name + '_w'] = jax.random.uniform(k1, (fi, fo), minval=-s, maxval=s, dtype=jnp.float32)
        params[name + '_b'] = jax.random.uniform(k2, (fo,), minval=-s, maxval=s, dtype=jnp.float32)
    return params


def setup_inputs(seed: int = 0):
    key = jax.random.key(seed)
    kx, ke, ka, kp = jax.random.split(key, 4)
    x = jax.random.normal(kx, (N_NODES, 1), dtype=jnp.float32)
    edge_index = jax.random.randint(ke, (2, N_EDGES), 0, N_NODES, dtype=jnp.int32)
    edge_attr = jax.random.normal(ka, (N_EDGES, 1), dtype=jnp.float32)
    params = _make_params(kp)
    return {'x': x, 'edge_index': edge_index, 'edge_attr': edge_attr, 'params': params}


def _gine(x, src, dst, edge_embed, p, name, n_nodes):
    # PyG GINEConv with eps=0: nn((1+eps)*x + sum_{j->i} relu(x_j + lin(e_ji)))
    e = edge_embed @ p[name + '_lin_w'] + p[name + '_lin_b']
    m = jax.nn.relu(x[src] + e)
    agg = jax.ops.segment_sum(m, dst, num_segments=n_nodes)
    return (x + agg) @ p[name + '_nn_w'] + p[name + '_nn_b']


def _forward(x, edge_index, edge_attr, p):
    n = x.shape[0]
    src = edge_index[0]
    dst = edge_index[1]
    edge_embed = edge_attr @ p['em_w'] + p['em_b']
    # projection: GINEConv whose nn is Sequential(Linear(1,128), ReLU)
    it = jax.nn.relu(_gine(x, src, dst, edge_embed, p, 'proj', n))
    outs = []
    for _ in range(ITERS):
        # recall: concat current thought with raw input features
        cat = jnp.concatenate([it, x], axis=1)
        it = _gine(cat, src, dst, edge_embed, p, 'rec', n)
        # two GNNBlockLinear blocks; shortcut is identity so out += out doubles it
        for c1, c2 in (('b1c1', 'b1c2'), ('b2c1', 'b2c2')):
            o = jax.nn.relu(_gine(it, src, dst, edge_embed, p, c1, n))
            o = _gine(o, src, dst, edge_embed, p, c2, n)
            o = o + o
            it = jax.nn.relu(o)
        # head
        h = jax.nn.relu(_gine(it, src, dst, edge_embed, p, 'h1', n))
        h = jax.nn.relu(_gine(h, src, dst, edge_embed, p, 'h2', n))
        out_nodes = _gine(h, src, dst, edge_embed, p, 'h3', n)
        # toedges: gather endpoints, concat, linear decode (fixed weights here)
        hcat = jnp.concatenate([out_nodes[src], out_nodes[dst]], axis=-1)
        pred = hcat @ p['dec_w'] + p['dec_b']
        outs.append(pred)
    preds = jnp.stack(outs, axis=1)  # [E, ITERS, 1]
    return preds, it


def reference(x, edge_index, edge_attr, params):
    return _forward(x, edge_index, edge_attr, params)

if __name__ == "__main__":
    import jax
    _d = setup_inputs()
    print(jax.jit(kernel)(*tuple(_d.values())))

</pallas_src>

<mosaic_0001>
#map = affine_map<(d0, d1) -> (0, 0)>
#map1 = affine_map<(d0, d1) -> (0, 0, 0)>
#map2 = affine_map<(d0, d1) -> (0)>
module attributes {stable_mosaic.version = 14 : i64} {
  func.func @k(%arg0: i32, %arg1: i32, %arg2: memref<10000x128xf32, #tpu.memory_space<hbm>>, %arg3: memref<32x40x128xi32, #tpu.memory_space<hbm>>, %arg4: memref<32x40x128xi32, #tpu.memory_space<hbm>>, %arg5: memref<32x40x128xf32, #tpu.memory_space<hbm>>, %arg6: memref<128xf32, #tpu.memory_space<hbm>>, %arg7: memref<128xf32, #tpu.memory_space<hbm>>, %arg8: memref<2x10240x128xf32, #tpu.memory_space<hbm>>, %arg9: memref<40x128xi32, #tpu.memory_space<vmem>>, %arg10: memref<40x128xi32, #tpu.memory_space<vmem>>, %arg11: memref<40x128xf32, #tpu.memory_space<vmem>>, %arg12: memref<2x128x128xf32, #tpu.memory_space<vmem>>, %arg13: memref<128xf32, #tpu.memory_space<vmem>>, %arg14: memref<128xf32, #tpu.memory_space<vmem>>, %arg15: memref<10240x128xf32, #tpu.memory_space<vmem_shared>>, %arg16: memref<!tpu.dma_semaphore, #tpu.memory_space<semaphore_mem>>, %arg17: memref<!tpu.dma_semaphore, #tpu.memory_space<semaphore_mem>>) attributes {dimension_semantics = [#tpu.dimension_semantics<core_parallel>, #tpu.dimension_semantics<subcore_parallel>], iteration_bounds = array<i64: 2, 16>, scalar_prefetch = 0 : i64, scratch_operands = 9 : i64, tpu.core_type = #tpu.core_type<sc_vector_subcore>, window_params = [{transform_indices = #map}, {transform_indices = #map1}, {transform_indices = #map1}, {transform_indices = #map1}, {transform_indices = #map2}, {transform_indices = #map2}, {transform_indices = #map1}]} {
    %mul3A = arith.constant 16 : i32
    %mul3A_0 = arith.muli %arg0, %mul3A : i32
    %add3A = arith.addi %mul3A_0, %arg1 : i32
    "tpu.region"() ({
      %run_scoped3A_61 = tpu.sem_alloc : memref<!tpu.dma_semaphore, #tpu.memory_space<semaphore_mem>>
      %dma_start3A = arith.constant 0 : i32
      %dma_start3A_62 = arith.constant 0 : i32
      %dma_start3A_63 = tpu.memref_slice %arg3[%add3A, %dma_start3A, %dma_start3A_62] : memref<32x40x128xi32, #tpu.memory_space<hbm>> -> memref<1x40x128xi32, #tpu.memory_space<hbm>>
      %dma_start3A_64 = tpu.memref_squeeze %dma_start3A_63 : memref<1x40x128xi32, #tpu.memory_space<hbm>> -> memref<40x128xi32, #tpu.memory_space<hbm>>
      %dma_start3A_65 = arith.constant 0 : i32
      %dma_start3A_66 = arith.constant 0 : i32
      %dma_start3A_67 = tpu.memref_slice %arg3[%add3A, %dma_start3A_65, %dma_start3A_66] : memref<32x40x128xi32, #tpu.memory_space<hbm>> -> memref<1x40x128xi32, #tpu.memory_space<hbm>>
      %dma_start3A_68 = tpu.memref_squeeze %dma_start3A_67 : memref<1x40x128xi32, #tpu.memory_space<hbm>> -> memref<40x128xi32, #tpu.memory_space<hbm>>
      tpu.enqueue_dma source(%dma_start3A_68 : memref<40x128xi32, #tpu.memory_space<hbm>>) target(%arg9 : memref<40x128xi32, #tpu.memory_space<vmem>>) target_semaphore(%run_scoped3A_61 : memref<!tpu.dma_semaphore, #tpu.memory_space<semaphore_mem>>)
      %dma_wait3A = arith.constant 0 : i32
      %dma_wait3A_69 = arith.constant 0 : i32
      %dma_wait3A_70 = tpu.memref_slice %arg3[%add3A, %dma_wait3A, %dma_wait3A_69] : memref<32x40x128xi32, #tpu.memory_space<hbm>> -> memref<1x40x128xi32, #tpu.memory_space<hbm>>
      %dma_wait3A_71 = tpu.memref_squeeze %dma_wait3A_70 : memref<1x40x128xi32, #tpu.memory_space<hbm>> -> memref<40x128xi32, #tpu.memory_space<hbm>>
      %dma_wait3A_72 = arith.constant 0 : i32
      %dma_wait3A_73 = arith.constant 0 : i32
      %dma_wait3A_74 = tpu.memref_slice %arg3[%add3A, %dma_wait3A_72, %dma_wait3A_73] : memref<32x40x128xi32, #tpu.memory_space<hbm>> -> memref<1x40x128xi32, #tpu.memory_space<hbm>>
      %dma_wait3A_75 = tpu.memref_squeeze %dma_wait3A_74 : memref<1x40x128xi32, #tpu.memory_space<hbm>> -> memref<40x128xi32, #tpu.memory_space<hbm>>
      tpu.wait_dma2 semaphore(%run_scoped3A_61 : memref<!tpu.dma_semaphore, #tpu.memory_space<semaphore_mem>>) src(%dma_wait3A_75 : memref<40x128xi32, #tpu.memory_space<hbm>>) dst(%arg9 : memref<40x128xi32, #tpu.memory_space<vmem>>)
      tpu.yield
    }) : () -> ()
    "tpu.region"() ({
      %run_scoped3A_61 = tpu.sem_alloc : memref<!tpu.dma_semaphore, #tpu.memory_space<semaphore_mem>>
      %dma_start3A = arith.constant 0 : i32
      %dma_start3A_62 = arith.constant 0 : i32
      %dma_start3A_63 = tpu.memref_slice %arg4[%add3A, %dma_start3A, %dma_start3A_62] : memref<32x40x128xi32, #tpu.memory_space<hbm>> -> memref<1x40x128xi32, #tpu.memory_space<hbm>>
      %dma_start3A_64 = tpu.memref_squeeze %dma_start3A_63 : memref<1x40x128xi32, #tpu.memory_space<hbm>> -> memref<40x128xi32, #tpu.memory_space<hbm>>
      %dma_start3A_65 = arith.constant 0 : i32
      %dma_start3A_66 = arith.constant 0 : i32
      %dma_start3A_67 = tpu.memref_slice %arg4[%add3A, %dma_start3A_65, %dma_start3A_66] : memref<32x40x128xi32, #tpu.memory_space<hbm>> -> memref<1x40x128xi32, #tpu.memory_space<hbm>>
      %dma_start3A_68 = tpu.memref_squeeze %dma_start3A_67 : memref<1x40x128xi32, #tpu.memory_space<hbm>> -> memref<40x128xi32, #tpu.memory_space<hbm>>
      tpu.enqueue_dma source(%dma_start3A_68 : memref<40x128xi32, #tpu.memory_space<hbm>>) target(%arg10 : memref<40x128xi32, #tpu.memory_space<vmem>>) target_semaphore(%run_scoped3A_61 : memref<!tpu.dma_semaphore, #tpu.memory_space<semaphore_mem>>)
      %dma_wait3A = arith.constant 0 : i32
      %dma_wait3A_69 = arith.constant 0 : i32
      %dma_wait3A_70 = tpu.memref_slice %arg4[%add3A, %dma_wait3A, %dma_wait3A_69] : memref<32x40x128xi32, #tpu.memory_space<hbm>> -> memref<1x40x128xi32, #tpu.memory_space<hbm>>
      %dma_wait3A_71 = tpu.memref_squeeze %dma_wait3A_70 : memref<1x40x128xi32, #tpu.memory_space<hbm>> -> memref<40x128xi32, #tpu.memory_space<hbm>>
      %dma_wait3A_72 = arith.constant 0 : i32
      %dma_wait3A_73 = arith.constant 0 : i32
      %dma_wait3A_74 = tpu.memref_slice %arg4[%add3A, %dma_wait3A_72, %dma_wait3A_73] : memref<32x40x128xi32, #tpu.memory_space<hbm>> -> memref<1x40x128xi32, #tpu.memory_space<hbm>>
      %dma_wait3A_75 = tpu.memref_squeeze %dma_wait3A_74 : memref<1x40x128xi32, #tpu.memory_space<hbm>> -> memref<40x128xi32, #tpu.memory_space<hbm>>
      tpu.wait_dma2 semaphore(%run_scoped3A_61 : memref<!tpu.dma_semaphore, #tpu.memory_space<semaphore_mem>>) src(%dma_wait3A_75 : memref<40x128xi32, #tpu.memory_space<hbm>>) dst(%arg10 : memref<40x128xi32, #tpu.memory_space<vmem>>)
      tpu.yield
    }) : () -> ()
    "tpu.region"() ({
      %run_scoped3A_61 = tpu.sem_alloc : memref<!tpu.dma_semaphore, #tpu.memory_space<semaphore_mem>>
      %dma_start3A = arith.constant 0 : i32
      %dma_start3A_62 = arith.constant 0 : i32
      %dma_start3A_63 = tpu.memref_slice %arg5[%add3A, %dma_start3A, %dma_start3A_62] : memref<32x40x128xf32, #tpu.memory_space<hbm>> -> memref<1x40x128xf32, #tpu.memory_space<hbm>>
      %dma_start3A_64 = tpu.memref_squeeze %dma_start3A_63 : memref<1x40x128xf32, #tpu.memory_space<hbm>> -> memref<40x128xf32, #tpu.memory_space<hbm>>
      %dma_start3A_65 = arith.constant 0 : i32
      %dma_start3A_66 = arith.constant 0 : i32
      %dma_start3A_67 = tpu.memref_slice %arg5[%add3A, %dma_start3A_65, %dma_start3A_66] : memref<32x40x128xf32, #tpu.memory_space<hbm>> -> memref<1x40x128xf32, #tpu.memory_space<hbm>>
      %dma_start3A_68 = tpu.memref_squeeze %dma_start3A_67 : memref<1x40x128xf32, #tpu.memory_space<hbm>> -> memref<40x128xf32, #tpu.memory_space<hbm>>
      tpu.enqueue_dma source(%dma_start3A_68 : memref<40x128xf32, #tpu.memory_space<hbm>>) target(%arg11 : memref<40x128xf32, #tpu.memory_space<vmem>>) target_semaphore(%run_scoped3A_61 : memref<!tpu.dma_semaphore, #tpu.memory_space<semaphore_mem>>)
      %dma_wait3A = arith.constant 0 : i32
      %dma_wait3A_69 = arith.constant 0 : i32
      %dma_wait3A_70 = tpu.memref_slice %arg5[%add3A, %dma_wait3A, %dma_wait3A_69] : memref<32x40x128xf32, #tpu.memory_space<hbm>> -> memref<1x40x128xf32, #tpu.memory_space<hbm>>
      %dma_wait3A_71 = tpu.memref_squeeze %dma_wait3A_70 : memref<1x40x128xf32, #tpu.memory_space<hbm>> -> memref<40x128xf32, #tpu.memory_space<hbm>>
      %dma_wait3A_72 = arith.constant 0 : i32
      %dma_wait3A_73 = arith.constant 0 : i32
      %dma_wait3A_74 = tpu.memref_slice %arg5[%add3A, %dma_wait3A_72, %dma_wait3A_73] : memref<32x40x128xf32, #tpu.memory_space<hbm>> -> memref<1x40x128xf32, #tpu.memory_space<hbm>>
      %dma_wait3A_75 = tpu.memref_squeeze %dma_wait3A_74 : memref<1x40x128xf32, #tpu.memory_space<hbm>> -> memref<40x128xf32, #tpu.memory_space<hbm>>
      tpu.wait_dma2 semaphore(%run_scoped3A_61 : memref<!tpu.dma_semaphore, #tpu.memory_space<semaphore_mem>>) src(%dma_wait3A_75 : memref<40x128xf32, #tpu.memory_space<hbm>>) dst(%arg11 : memref<40x128xf32, #tpu.memory_space<vmem>>)
      tpu.yield
    }) : () -> ()
    "tpu.region"() ({
      %run_scoped3A_61 = tpu.sem_alloc : memref<!tpu.dma_semaphore, #tpu.memory_space<semaphore_mem>>
      tpu.enqueue_dma source(%arg6 : memref<128xf32, #tpu.memory_space<hbm>>) target(%arg13 : memref<128xf32, #tpu.memory_space<vmem>>) target_semaphore(%run_scoped3A_61 : memref<!tpu.dma_semaphore, #tpu.memory_space<semaphore_mem>>)
      tpu.wait_dma2 semaphore(%run_scoped3A_61 : memref<!tpu.dma_semaphore, #tpu.memory_space<semaphore_mem>>) src(%arg6 : memref<128xf32, #tpu.memory_space<hbm>>) dst(%arg13 : memref<128xf32, #tpu.memory_space<vmem>>)
      tpu.yield
    }) : () -> ()
    "tpu.region"() ({
      %run_scoped3A_61 = tpu.sem_alloc : memref<!tpu.dma_semaphore, #tpu.memory_space<semaphore_mem>>
      tpu.enqueue_dma source(%arg7 : memref<128xf32, #tpu.memory_space<hbm>>) target(%arg14 : memref<128xf32, #tpu.memory_space<vmem>>) target_semaphore(%run_scoped3A_61 : memref<!tpu.dma_semaphore, #tpu.memory_space<semaphore_mem>>)
      tpu.wait_dma2 semaphore(%run_scoped3A_61 : memref<!tpu.dma_semaphore, #tpu.memory_space<semaphore_mem>>) src(%arg7 : memref<128xf32, #tpu.memory_space<hbm>>) dst(%arg14 : memref<128xf32, #tpu.memory_space<vmem>>)
      tpu.yield
    }) : () -> ()
    %broadcast_in_dim3A = arith.constant 0.000000e+00 : f32
    %broadcast_in_dim3A_1 = vector.broadcast %broadcast_in_dim3A : f32 to vector<16xf32>
    %scan3A = arith.constant 0 : i32
    %scan3A_2 = arith.constant 128 : i32
    %scan3A_3 = arith.addi %scan3A, %scan3A_2 : i32
    %scan3A_4 = arith.constant 1 : i32
    scf.for %scan3A_61 = %scan3A to %scan3A_3 step %scan3A_4  : i32 {
      %mul3A_62 = arith.constant 1 : i32
      %mul3A_63 = arith.muli %scan3A_61, %mul3A_62 : i32
      %add3A_64 = arith.constant 0 : i32
      %add3A_65 = arith.addi %add3A_64, %mul3A_63 : i32
      %swap3A = arith.constant 0 : i32
      %swap3A_66 = arith.index_cast %swap3A : i32 to index
      %swap3A_67 = arith.index_cast %add3A_65 : i32 to index
      %swap3A_68 = arith.constant 0 : index
      %swap3A_69 = tpu.vector_load %arg12[%swap3A_66, %swap3A_67, %swap3A_68] {strides = array<i32>} : memref<2x128x128xf32, #tpu.memory_space<vmem>>, vector<1x1x16xf32>,
      %swap3A_70 = vector.shape_cast %swap3A_69 : vector<1x1x16xf32> to vector<16xf32>
      %swap3A_71 = vector.shape_cast %broadcast_in_dim3A_1 : vector<16xf32> to vector<1x1x16xf32>
      tpu.vector_store %arg12[%swap3A_66, %swap3A_67, %swap3A_68], %swap3A_71 {strides = array<i32>} : memref<2x128x128xf32, #tpu.memory_space<vmem>>, vector<1x1x16xf32>,
      %swap3A_72 = arith.constant 0 : i32
      %swap3A_73 = arith.index_cast %swap3A_72 : i32 to index
      %swap3A_74 = arith.index_cast %add3A_65 : i32 to index
      %swap3A_75 = arith.constant 16 : index
      %swap3A_76 = tpu.vector_load %arg12[%swap3A_73, %swap3A_74, %swap3A_75] {strides = array<i32>} : memref<2x128x128xf32, #tpu.memory_space<vmem>>, vector<1x1x16xf32>,
      %swap3A_77 = vector.shape_cast %swap3A_76 : vector<1x1x16xf32> to vector<16xf32>
      %swap3A_78 = vector.shape_cast %broadcast_in_dim3A_1 : vector<16xf32> to vector<1x1x16xf32>
      tpu.vector_store %arg12[%swap3A_73, %swap3A_74, %swap3A_75], %swap3A_78 {strides = array<i32>} : memref<2x128x128xf32, #tpu.memory_space<vmem>>, vector<1x1x16xf32>,
      %swap3A_79 = arith.constant 0 : i32
      %swap3A_80 = arith.index_cast %swap3A_79 : i32 to index
      %swap3A_81 = arith.index_cast %add3A_65 : i32 to index
      %swap3A_82 = arith.constant 32 : index
      %swap3A_83 = tpu.vector_load %arg12[%swap3A_80, %swap3A_81, %swap3A_82] {strides = array<i32>} : memref<2x128x128xf32, #tpu.memory_space<vmem>>, vector<1x1x16xf32>,
      %swap3A_84 = vector.shape_cast %swap3A_83 : vector<1x1x16xf32> to vector<16xf32>
      %swap3A_85 = vector.shape_cast %broadcast_in_dim3A_1 : vector<16xf32> to vector<1x1x16xf32>
      tpu.vector_store %arg12[%swap3A_80, %swap3A_81, %swap3A_82], %swap3A_85 {strides = array<i32>} : memref<2x128x128xf32, #tpu.memory_space<vmem>>, vector<1x1x16xf32>,
      %swap3A_86 = arith.constant 0 : i32
      %swap3A_87 = arith.index_cast %swap3A_86 : i32 to index
      %swap3A_88 = arith.index_cast %add3A_65 : i32 to index
      %swap3A_89 = arith.constant 48 : index
      %swap3A_90 = tpu.vector_load %arg12[%swap3A_87, %swap3A_88, %swap3A_89] {strides = array<i32>} : memref<2x128x128xf32, #tpu.memory_space<vmem>>, vector<1x1x16xf32>,
      %swap3A_91 = vector.shape_cast %swap3A_90 : vector<1x1x16xf32> to vector<16xf32>
      %swap3A_92 = vector.shape_cast %broadcast_in_dim3A_1 : vector<16xf32> to vector<1x1x16xf32>
      tpu.vector_store %arg12[%swap3A_87, %swap3A_88, %swap3A_89], %swap3A_92 {strides = array<i32>} : memref<2x128x128xf32, #tpu.memory_space<vmem>>, vector<1x1x16xf32>,
      %swap3A_93 = arith.constant 0 : i32
      %swap3A_94 = arith.index_cast %swap3A_93 : i32 to index
      %swap3A_95 = arith.index_cast %add3A_65 : i32 to index
      %swap3A_96 = arith.constant 64 : index
      %swap3A_97 = tpu.vector_load %arg12[%swap3A_94, %swap3A_95, %swap3A_96] {strides = array<i32>} : memref<2x128x128xf32, #tpu.memory_space<vmem>>, vector<1x1x16xf32>,
      %swap3A_98 = vector.shape_cast %swap3A_97 : vector<1x1x16xf32> to vector<16xf32>
      %swap3A_99 = vector.shape_cast %broadcast_in_dim3A_1 : vector<16xf32> to vector<1x1x16xf32>
      tpu.vector_store %arg12[%swap3A_94, %swap3A_95, %swap3A_96], %swap3A_99 {strides = array<i32>} : memref<2x128x128xf32, #tpu.memory_space<vmem>>, vector<1x1x16xf32>,
      %swap3A_100 = arith.constant 0 : i32
      %swap3A_101 = arith.index_cast %swap3A_100 : i32 to index
      %swap3A_102 = arith.index_cast %add3A_65 : i32 to index
      %swap3A_103 = arith.constant 80 : index
      %swap3A_104 = tpu.vector_load %arg12[%swap3A_101, %swap3A_102, %swap3A_103] {strides = array<i32>} : memref<2x128x128xf32, #tpu.memory_space<vmem>>, vector<1x1x16xf32>,
      %swap3A_105 = vector.shape_cast %swap3A_104 : vector<1x1x16xf32> to vector<16xf32>
      %swap3A_106 = vector.shape_cast %broadcast_in_dim3A_1 : vector<16xf32> to vector<1x1x16xf32>
      tpu.vector_store %arg12[%swap3A_101, %swap3A_102, %swap3A_103], %swap3A_106 {strides = array<i32>} : memref<2x128x128xf32, #tpu.memory_space<vmem>>, vector<1x1x16xf32>,
      %swap3A_107 = arith.constant 0 : i32
      %swap3A_108 = arith.index_cast %swap3A_107 : i32 to index
      %swap3A_109 = arith.index_cast %add3A_65 : i32 to index
      %swap3A_110 = arith.constant 96 : index
      %swap3A_111 = tpu.vector_load %arg12[%swap3A_108, %swap3A_109, %swap3A_110] {strides = array<i32>} : memref<2x128x128xf32, #tpu.memory_space<vmem>>, vector<1x1x16xf32>,
      %swap3A_112 = vector.shape_cast %swap3A_111 : vector<1x1x16xf32> to vector<16xf32>
      %swap3A_113 = vector.shape_cast %broadcast_in_dim3A_1 : vector<16xf32> to vector<1x1x16xf32>
      tpu.vector_store %arg12[%swap3A_108, %swap3A_109, %swap3A_110], %swap3A_113 {strides = array<i32>} : memref<2x128x128xf32, #tpu.memory_space<vmem>>, vector<1x1x16xf32>,
      %swap3A_114 = arith.constant 0 : i32
      %swap3A_115 = arith.index_cast %swap3A_114 : i32 to index
      %swap3A_116 = arith.index_cast %add3A_65 : i32 to index
      %swap3A_117 = arith.constant 112 : index
      %swap3A_118 = tpu.vector_load %arg12[%swap3A_115, %swap3A_116, %swap3A_117] {strides = array<i32>} : memref<2x128x128xf32, #tpu.memory_space<vmem>>, vector<1x1x16xf32>,
      %swap3A_119 = vector.shape_cast %swap3A_118 : vector<1x1x16xf32> to vector<16xf32>
      %swap3A_120 = vector.shape_cast %broadcast_in_dim3A_1 : vector<16xf32> to vector<1x1x16xf32>
      tpu.vector_store %arg12[%swap3A_115, %swap3A_116, %swap3A_117], %swap3A_120 {strides = array<i32>} : memref<2x128x128xf32, #tpu.memory_space<vmem>>, vector<1x1x16xf32>,
    }
    %scan3A_5 = arith.constant 128 : i32
    %mul3A_6 = arith.constant 640 : i32
    %mul3A_7 = arith.muli %arg1, %mul3A_6 : i32
    %add3A_8 = arith.constant 0 : i32
    %add3A_9 = arith.addi %mul3A_7, %add3A_8 : i32
    %run_scoped3A = arith.constant 0 : i32
    "tpu.region"() ({
      %run_scoped3A_61 = tpu.sem_alloc : memref<!tpu.dma_semaphore, #tpu.memory_space<semaphore_mem>>
      %dma_start3A = arith.constant 0 : i32
      %dma_start3A_62 = arith.constant 0 : i32
      %dma_start3A_63 = tpu.memref_slice %arg12[%run_scoped3A, %dma_start3A, %dma_start3A_62] : memref<2x128x128xf32, #tpu.memory_space<vmem>> -> memref<1x128x128xf32, #tpu.memory_space<vmem>>
      %dma_start3A_64 = tpu.memref_squeeze %dma_start3A_63 : memref<1x128x128xf32, #tpu.memory_space<vmem>> -> memref<128x128xf32, #tpu.memory_space<vmem>>
      %dma_start3A_65 = arith.constant 0 : i32
      %dma_start3A_66 = tpu.memref_slice %arg15[%add3A_9, %dma_start3A_65] : memref<10240x128xf32, #tpu.memory_space<vmem_shared>> -> memref<128x128xf32, #tpu.memory_space<vmem_shared>>
      %dma_start3A_67 = arith.constant 0 : i32
      %dma_start3A_68 = tpu.memref_slice %arg15[%add3A_9, %dma_start3A_67] : memref<10240x128xf32, #tpu.memory_space<vmem_shared>> -> memref<128x128xf32, #tpu.memory_space<vmem_shared>>
      %dma_start3A_69 = arith.constant 0 : i32
      %dma_start3A_70 = arith.constant 0 : i32
      %dma_start3A_71 = tpu.memref_slice %arg12[%run_scoped3A, %dma_start3A_69, %dma_start3A_70] : memref<2x128x128xf32, #tpu.memory_space<vmem>> -> memref<1x128x128xf32, #tpu.memory_space<vmem>>
      %dma_start3A_72 = tpu.memref_squeeze %dma_start3A_71 : memref<1x128x128xf32, #tpu.memory_space<vmem>> -> memref<128x128xf32, #tpu.memory_space<vmem>>
      tpu.enqueue_dma source(%dma_start3A_72 : memref<128x128xf32, #tpu.memory_space<vmem>>) target(%dma_start3A_68 : memref<128x128xf32, #tpu.memory_space<vmem_shared>>) target_semaphore(%run_scoped3A_61 : memref<!tpu.dma_semaphore, #tpu.memory_space<semaphore_mem>>)
      %dma_wait3A = arith.constant 0 : i32
      %dma_wait3A_73 = arith.constant 0 : i32
      %dma_wait3A_74 = tpu.memref_slice %arg12[%run_scoped3A, %dma_wait3A, %dma_wait3A_73] : memref<2x128x128xf32, #tpu.memory_space<vmem>> -> memref<1x128x128xf32, #tpu.memory_space<vmem>>
      %dma_wait3A_75 = tpu.memref_squeeze %dma_wait3A_74 : memref<1x128x128xf32, #tpu.memory_space<vmem>> -> memref<128x128xf32, #tpu.memory_space<vmem>>
      %dma_wait3A_76 = arith.constant 0 : i32
      %dma_wait3A_77 = tpu.memref_slice %arg15[%add3A_9, %dma_wait3A_76] : memref<10240x128xf32, #tpu.memory_space<vmem_shared>> -> memref<128x128xf32, #tpu.memory_space<vmem_shared>>
      %dma_wait3A_78 = arith.constant 0 : i32
      %dma_wait3A_79 = tpu.memref_slice %arg15[%add3A_9, %dma_wait3A_78] : memref<10240x128xf32, #tpu.memory_space<vmem_shared>> -> memref<128x128xf32, #tpu.memory_space<vmem_shared>>
      %dma_wait3A_80 = arith.constant 0 : i32
      %dma_wait3A_81 = arith.constant 0 : i32
      %dma_wait3A_82 = tpu.memref_slice %arg12[%run_scoped3A, %dma_wait3A_80, %dma_wait3A_81] : memref<2x128x128xf32, #tpu.memory_space<vmem>> -> memref<1x128x128xf32, #tpu.memory_space<vmem>>
      %dma_wait3A_83 = tpu.memref_squeeze %dma_wait3A_82 : memref<1x128x128xf32, #tpu.memory_space<vmem>> -> memref<128x128xf32, #tpu.memory_space<vmem>>
      tpu.wait_dma2 semaphore(%run_scoped3A_61 : memref<!tpu.dma_semaphore, #tpu.memory_space<semaphore_mem>>) src(%dma_wait3A_83 : memref<128x128xf32, #tpu.memory_space<vmem>>) dst(%dma_wait3A_79 : memref<128x128xf32, #tpu.memory_space<vmem_shared>>)
      tpu.yield
    }) : () -> ()
    %mul3A_10 = arith.constant 640 : i32
    %mul3A_11 = arith.muli %arg1, %mul3A_10 : i32
    %add3A_12 = arith.constant 128 : i32
    %add3A_13 = arith.addi %mul3A_11, %add3A_12 : i32
    %run_scoped3A_14 = arith.constant 0 : i32
    "tpu.region"() ({
      %run_scoped3A_61 = tpu.sem_alloc : memref<!tpu.dma_semaphore, #tpu.memory_space<semaphore_mem>>
      %dma_start3A = arith.constant 0 : i32
      %dma_start3A_62 = arith.constant 0 : i32
      %dma_start3A_63 = tpu.memref_slice %arg12[%run_scoped3A_14, %dma_start3A, %dma_start3A_62] : memref<2x128x128xf32, #tpu.memory_space<vmem>> -> memref<1x128x128xf32, #tpu.memory_space<vmem>>
      %dma_start3A_64 = tpu.memref_squeeze %dma_start3A_63 : memref<1x128x128xf32, #tpu.memory_space<vmem>> -> memref<128x128xf32, #tpu.memory_space<vmem>>
      %dma_start3A_65 = arith.constant 0 : i32
      %dma_start3A_66 = tpu.memref_slice %arg15[%add3A_13, %dma_start3A_65] : memref<10240x128xf32, #tpu.memory_space<vmem_shared>> -> memref<128x128xf32, #tpu.memory_space<vmem_shared>>
      %dma_start3A_67 = arith.constant 0 : i32
      %dma_start3A_68 = tpu.memref_slice %arg15[%add3A_13, %dma_start3A_67] : memref<10240x128xf32, #tpu.memory_space<vmem_shared>> -> memref<128x128xf32, #tpu.memory_space<vmem_shared>>
      %dma_start3A_69 = arith.constant 0 : i32
      %dma_start3A_70 = arith.constant 0 : i32
      %dma_start3A_71 = tpu.memref_slice %arg12[%run_scoped3A_14, %dma_start3A_69, %dma_start3A_70] : memref<2x128x128xf32, #tpu.memory_space<vmem>> -> memref<1x128x128xf32, #tpu.memory_space<vmem>>
      %dma_start3A_72 = tpu.memref_squeeze %dma_start3A_71 : memref<1x128x128xf32, #tpu.memory_space<vmem>> -> memref<128x128xf32, #tpu.memory_space<vmem>>
      tpu.enqueue_dma source(%dma_start3A_72 : memref<128x128xf32, #tpu.memory_space<vmem>>) target(%dma_start3A_68 : memref<128x128xf32, #tpu.memory_space<vmem_shared>>) target_semaphore(%run_scoped3A_61 : memref<!tpu.dma_semaphore, #tpu.memory_space<semaphore_mem>>)
      %dma_wait3A = arith.constant 0 : i32
      %dma_wait3A_73 = arith.constant 0 : i32
      %dma_wait3A_74 = tpu.memref_slice %arg12[%run_scoped3A_14, %dma_wait3A, %dma_wait3A_73] : memref<2x128x128xf32, #tpu.memory_space<vmem>> -> memref<1x128x128xf32, #tpu.memory_space<vmem>>
      %dma_wait3A_75 = tpu.memref_squeeze %dma_wait3A_74 : memref<1x128x128xf32, #tpu.memory_space<vmem>> -> memref<128x128xf32, #tpu.memory_space<vmem>>
      %dma_wait3A_76 = arith.constant 0 : i32
      %dma_wait3A_77 = tpu.memref_slice %arg15[%add3A_13, %dma_wait3A_76] : memref<10240x128xf32, #tpu.memory_space<vmem_shared>> -> memref<128x128xf32, #tpu.memory_space<vmem_shared>>
      %dma_wait3A_78 = arith.constant 0 : i32
      %dma_wait3A_79 = tpu.memref_slice %arg15[%add3A_13, %dma_wait3A_78] : memref<10240x128xf32, #tpu.memory_space<vmem_shared>> -> memref<128x128xf32, #tpu.memory_space<vmem_shared>>
      %dma_wait3A_80 = arith.constant 0 : i32
      %dma_wait3A_81 = arith.constant 0 : i32
      %dma_wait3A_82 = tpu.memref_slice %arg12[%run_scoped3A_14, %dma_wait3A_80, %dma_wait3A_81] : memref<2x128x128xf32, #tpu.memory_space<vmem>> -> memref<1x128x128xf32, #tpu.memory_space<vmem>>
      %dma_wait3A_83 = tpu.memref_squeeze %dma_wait3A_82 : memref<1x128x128xf32, #tpu.memory_space<vmem>> -> memref<128x128xf32, #tpu.memory_space<vmem>>
      tpu.wait_dma2 semaphore(%run_scoped3A_61 : memref<!tpu.dma_semaphore, #tpu.memory_space<semaphore_mem>>) src(%dma_wait3A_83 : memref<128x128xf32, #tpu.memory_space<vmem>>) dst(%dma_wait3A_79 : memref<128x128xf32, #tpu.memory_space<vmem_shared>>)
      tpu.yield
    }) : () -> ()
    %mul3A_15 = arith.constant 640 : i32
    %mul3A_16 = arith.muli %arg1, %mul3A_15 : i32
    %add3A_17 = arith.constant 256 : i32
    %add3A_18 = arith.addi %mul3A_16, %add3A_17 : i32
    %run_scoped3A_19 = arith.constant 0 : i32
    "tpu.region"() ({
      %run_scoped3A_61 = tpu.sem_alloc : memref<!tpu.dma_semaphore, #tpu.memory_space<semaphore_mem>>
      %dma_start3A = arith.constant 0 : i32
      %dma_start3A_62 = arith.constant 0 : i32
      %dma_start3A_63 = tpu.memref_slice %arg12[%run_scoped3A_19, %dma_start3A, %dma_start3A_62] : memref<2x128x128xf32, #tpu.memory_space<vmem>> -> memref<1x128x128xf32, #tpu.memory_space<vmem>>
      %dma_start3A_64 = tpu.memref_squeeze %dma_start3A_63 : memref<1x128x128xf32, #tpu.memory_space<vmem>> -> memref<128x128xf32, #tpu.memory_space<vmem>>
      %dma_start3A_65 = arith.constant 0 : i32
      %dma_start3A_66 = tpu.memref_slice %arg15[%add3A_18, %dma_start3A_65] : memref<10240x128xf32, #tpu.memory_space<vmem_shared>> -> memref<128x128xf32, #tpu.memory_space<vmem_shared>>
      %dma_start3A_67 = arith.constant 0 : i32
      %dma_start3A_68 = tpu.memref_slice %arg15[%add3A_18, %dma_start3A_67] : memref<10240x128xf32, #tpu.memory_space<vmem_shared>> -> memref<128x128xf32, #tpu.memory_space<vmem_shared>>
      %dma_start3A_69 = arith.constant 0 : i32
      %dma_start3A_70 = arith.constant 0 : i32
      %dma_start3A_71 = tpu.memref_slice %arg12[%run_scoped3A_19, %dma_start3A_69, %dma_start3A_70] : memref<2x128x128xf32, #tpu.memory_space<vmem>> -> memref<1x128x128xf32, #tpu.memory_space<vmem>>
      %dma_start3A_72 = tpu.memref_squeeze %dma_start3A_71 : memref<1x128x128xf32, #tpu.memory_space<vmem>> -> memref<128x128xf32, #tpu.memory_space<vmem>>
      tpu.enqueue_dma source(%dma_start3A_72 : memref<128x128xf32, #tpu.memory_space<vmem>>) target(%dma_start3A_68 : memref<128x128xf32, #tpu.memory_space<vmem_shared>>) target_semaphore(%run_scoped3A_61 : memref<!tpu.dma_semaphore, #tpu.memory_space<semaphore_mem>>)
      %dma_wait3A = arith.constant 0 : i32
      %dma_wait3A_73 = arith.constant 0 : i32
      %dma_wait3A_74 = tpu.memref_slice %arg12[%run_scoped3A_19, %dma_wait3A, %dma_wait3A_73] : memref<2x128x128xf32, #tpu.memory_space<vmem>> -> memref<1x128x128xf32, #tpu.memory_space<vmem>>
      %dma_wait3A_75 = tpu.memref_squeeze %dma_wait3A_74 : memref<1x128x128xf32, #tpu.memory_space<vmem>> -> memref<128x128xf32, #tpu.memory_space<vmem>>
      %dma_wait3A_76 = arith.constant 0 : i32
      %dma_wait3A_77 = tpu.memref_slice %arg15[%add3A_18, %dma_wait3A_76] : memref<10240x128xf32, #tpu.memory_space<vmem_shared>> -> memref<128x128xf32, #tpu.memory_space<vmem_shared>>
      %dma_wait3A_78 = arith.constant 0 : i32
      %dma_wait3A_79 = tpu.memref_slice %arg15[%add3A_18, %dma_wait3A_78] : memref<10240x128xf32, #tpu.memory_space<vmem_shared>> -> memref<128x128xf32, #tpu.memory_space<vmem_shared>>
      %dma_wait3A_80 = arith.constant 0 : i32
      %dma_wait3A_81 = arith.constant 0 : i32
      %dma_wait3A_82 = tpu.memref_slice %arg12[%run_scoped3A_19, %dma_wait3A_80, %dma_wait3A_81] : memref<2x128x128xf32, #tpu.memory_space<vmem>> -> memref<1x128x128xf32, #tpu.memory_space<vmem>>
      %dma_wait3A_83 = tpu.memref_squeeze %dma_wait3A_82 : memref<1x128x128xf32, #tpu.memory_space<vmem>> -> memref<128x128xf32, #tpu.memory_space<vmem>>
      tpu.wait_dma2 semaphore(%run_scoped3A_61 : memref<!tpu.dma_semaphore, #tpu.memory_space<semaphore_mem>>) src(%dma_wait3A_83 : memref<128x128xf32, #tpu.memory_space<vmem>>) dst(%dma_wait3A_79 : memref<128x128xf32, #tpu.memory_space<vmem_shared>>)
      tpu.yield
    }) : () -> ()
    %mul3A_20 = arith.constant 640 : i32
    %mul3A_21 = arith.muli %arg1, %mul3A_20 : i32
    %add3A_22 = arith.constant 384 : i32
    %add3A_23 = arith.addi %mul3A_21, %add3A_22 : i32
    %run_scoped3A_24 = arith.constant 0 : i32
    "tpu.region"() ({
      %run_scoped3A_61 = tpu.sem_alloc : memref<!tpu.dma_semaphore, #tpu.memory_space<semaphore_mem>>
      %dma_start3A = arith.constant 0 : i32
      %dma_start3A_62 = arith.constant 0 : i32
      %dma_start3A_63 = tpu.memref_slice %arg12[%run_scoped3A_24, %dma_start3A, %dma_start3A_62] : memref<2x128x128xf32, #tpu.memory_space<vmem>> -> memref<1x128x128xf32, #tpu.memory_space<vmem>>
      %dma_start3A_64 = tpu.memref_squeeze %dma_start3A_63 : memref<1x128x128xf32, #tpu.memory_space<vmem>> -> memref<128x128xf32, #tpu.memory_space<vmem>>
      %dma_start3A_65 = arith.constant 0 : i32
      %dma_start3A_66 = tpu.memref_slice %arg15[%add3A_23, %dma_start3A_65] : memref<10240x128xf32, #tpu.memory_space<vmem_shared>> -> memref<128x128xf32, #tpu.memory_space<vmem_shared>>
      %dma_start3A_67 = arith.constant 0 : i32
      %dma_start3A_68 = tpu.memref_slice %arg15[%add3A_23, %dma_start3A_67] : memref<10240x128xf32, #tpu.memory_space<vmem_shared>> -> memref<128x128xf32, #tpu.memory_space<vmem_shared>>
      %dma_start3A_69 = arith.constant 0 : i32
      %dma_start3A_70 = arith.constant 0 : i32
      %dma_start3A_71 = tpu.memref_slice %arg12[%run_scoped3A_24, %dma_start3A_69, %dma_start3A_70] : memref<2x128x128xf32, #tpu.memory_space<vmem>> -> memref<1x128x128xf32, #tpu.memory_space<vmem>>
      %dma_start3A_72 = tpu.memref_squeeze %dma_start3A_71 : memref<1x128x128xf32, #tpu.memory_space<vmem>> -> memref<128x128xf32, #tpu.memory_space<vmem>>
      tpu.enqueue_dma source(%dma_start3A_72 : memref<128x128xf32, #tpu.memory_space<vmem>>) target(%dma_start3A_68 : memref<128x128xf32, #tpu.memory_space<vmem_shared>>) target_semaphore(%run_scoped3A_61 : memref<!tpu.dma_semaphore, #tpu.memory_space<semaphore_mem>>)
      %dma_wait3A = arith.constant 0 : i32
      %dma_wait3A_73 = arith.constant 0 : i32
      %dma_wait3A_74 = tpu.memref_slice %arg12[%run_scoped3A_24, %dma_wait3A, %dma_wait3A_73] : memref<2x128x128xf32, #tpu.memory_space<vmem>> -> memref<1x128x128xf32, #tpu.memory_space<vmem>>
      %dma_wait3A_75 = tpu.memref_squeeze %dma_wait3A_74 : memref<1x128x128xf32, #tpu.memory_space<vmem>> -> memref<128x128xf32, #tpu.memory_space<vmem>>
      %dma_wait3A_76 = arith.constant 0 : i32
      %dma_wait3A_77 = tpu.memref_slice %arg15[%add3A_23, %dma_wait3A_76] : memref<10240x128xf32, #tpu.memory_space<vmem_shared>> -> memref<128x128xf32, #tpu.memory_space<vmem_shared>>
      %dma_wait3A_78 = arith.constant 0 : i32
      %dma_wait3A_79 = tpu.memref_slice %arg15[%add3A_23, %dma_wait3A_78] : memref<10240x128xf32, #tpu.memory_space<vmem_shared>> -> memref<128x128xf32, #tpu.memory_space<vmem_shared>>
      %dma_wait3A_80 = arith.constant 0 : i32
      %dma_wait3A_81 = arith.constant 0 : i32
      %dma_wait3A_82 = tpu.memref_slice %arg12[%run_scoped3A_24, %dma_wait3A_80, %dma_wait3A_81] : memref<2x128x128xf32, #tpu.memory_space<vmem>> -> memref<1x128x128xf32, #tpu.memory_space<vmem>>
      %dma_wait3A_83 = tpu.memref_squeeze %dma_wait3A_82 : memref<1x128x128xf32, #tpu.memory_space<vmem>> -> memref<128x128xf32, #tpu.memory_space<vmem>>
      tpu.wait_dma2 semaphore(%run_scoped3A_61 : memref<!tpu.dma_semaphore, #tpu.memory_space<semaphore_mem>>) src(%dma_wait3A_83 : memref<128x128xf32, #tpu.memory_space<vmem>>) dst(%dma_wait3A_79 : memref<128x128xf32, #tpu.memory_space<vmem_shared>>)
      tpu.yield
    }) : () -> ()
    %mul3A_25 = arith.constant 640 : i32
    %mul3A_26 = arith.muli %arg1, %mul3A_25 : i32
    %add3A_27 = arith.constant 512 : i32
    %add3A_28 = arith.addi %mul3A_26, %add3A_27 : i32
    %run_scoped3A_29 = arith.constant 0 : i32
    "tpu.region"() ({
      %run_scoped3A_61 = tpu.sem_alloc : memref<!tpu.dma_semaphore, #tpu.memory_space<semaphore_mem>>
      %dma_start3A = arith.constant 0 : i32
      %dma_start3A_62 = arith.constant 0 : i32
      %dma_start3A_63 = tpu.memref_slice %arg12[%run_scoped3A_29, %dma_start3A, %dma_start3A_62] : memref<2x128x128xf32, #tpu.memory_space<vmem>> -> memref<1x128x128xf32, #tpu.memory_space<vmem>>
      %dma_start3A_64 = tpu.memref_squeeze %dma_start3A_63 : memref<1x128x128xf32, #tpu.memory_space<vmem>> -> memref<128x128xf32, #tpu.memory_space<vmem>>
      %dma_start3A_65 = arith.constant 0 : i32
      %dma_start3A_66 = tpu.memref_slice %arg15[%add3A_28, %dma_start3A_65] : memref<10240x128xf32, #tpu.memory_space<vmem_shared>> -> memref<128x128xf32, #tpu.memory_space<vmem_shared>>
      %dma_start3A_67 = arith.constant 0 : i32
      %dma_start3A_68 = tpu.memref_slice %arg15[%add3A_28, %dma_start3A_67] : memref<10240x128xf32, #tpu.memory_space<vmem_shared>> -> memref<128x128xf32, #tpu.memory_space<vmem_shared>>
      %dma_start3A_69 = arith.constant 0 : i32
      %dma_start3A_70 = arith.constant 0 : i32
      %dma_start3A_71 = tpu.memref_slice %arg12[%run_scoped3A_29, %dma_start3A_69, %dma_start3A_70] : memref<2x128x128xf32, #tpu.memory_space<vmem>> -> memref<1x128x128xf32, #tpu.memory_space<vmem>>
      %dma_start3A_72 = tpu.memref_squeeze %dma_start3A_71 : memref<1x128x128xf32, #tpu.memory_space<vmem>> -> memref<128x128xf32, #tpu.memory_space<vmem>>
      tpu.enqueue_dma source(%dma_start3A_72 : memref<128x128xf32, #tpu.memory_space<vmem>>) target(%dma_start3A_68 : memref<128x128xf32, #tpu.memory_space<vmem_shared>>) target_semaphore(%run_scoped3A_61 : memref<!tpu.dma_semaphore, #tpu.memory_space<semaphore_mem>>)
      %dma_wait3A = arith.constant 0 : i32
      %dma_wait3A_73 = arith.constant 0 : i32
      %dma_wait3A_74 = tpu.memref_slice %arg12[%run_scoped3A_29, %dma_wait3A, %dma_wait3A_73] : memref<2x128x128xf32, #tpu.memory_space<vmem>> -> memref<1x128x128xf32, #tpu.memory_space<vmem>>
      %dma_wait3A_75 = tpu.memref_squeeze %dma_wait3A_74 : memref<1x128x128xf32, #tpu.memory_space<vmem>> -> memref<128x128xf32, #tpu.memory_space<vmem>>
      %dma_wait3A_76 = arith.constant 0 : i32
      %dma_wait3A_77 = tpu.memref_slice %arg15[%add3A_28, %dma_wait3A_76] : memref<10240x128xf32, #tpu.memory_space<vmem_shared>> -> memref<128x128xf32, #tpu.memory_space<vmem_shared>>
      %dma_wait3A_78 = arith.constant 0 : i32
      %dma_wait3A_79 = tpu.memref_slice %arg15[%add3A_28, %dma_wait3A_78] : memref<10240x128xf32, #tpu.memory_space<vmem_shared>> -> memref<128x128xf32, #tpu.memory_space<vmem_shared>>
      %dma_wait3A_80 = arith.constant 0 : i32
      %dma_wait3A_81 = arith.constant 0 : i32
      %dma_wait3A_82 = tpu.memref_slice %arg12[%run_scoped3A_29, %dma_wait3A_80, %dma_wait3A_81] : memref<2x128x128xf32, #tpu.memory_space<vmem>> -> memref<1x128x128xf32, #tpu.memory_space<vmem>>
      %dma_wait3A_83 = tpu.memref_squeeze %dma_wait3A_82 : memref<1x128x128xf32, #tpu.memory_space<vmem>> -> memref<128x128xf32, #tpu.memory_space<vmem>>
      tpu.wait_dma2 semaphore(%run_scoped3A_61 : memref<!tpu.dma_semaphore, #tpu.memory_space<semaphore_mem>>) src(%dma_wait3A_83 : memref<128x128xf32, #tpu.memory_space<vmem>>) dst(%dma_wait3A_79 : memref<128x128xf32, #tpu.memory_space<vmem_shared>>)
      tpu.yield
    }) : () -> ()
    %barrier3A = arith.constant 0 : index
    tpu.barrier barrier_id(%barrier3A)
    %get3A = arith.constant 0 : index
    %get3A_30 = tpu.vector_load %arg13[%get3A] {strides = array<i32>} : memref<128xf32, #tpu.memory_space<vmem>>, vector<16xf32>,
    %get3A_31 = vector.shape_cast %get3A_30 : vector<16xf32> to vector<16xf32>
    %get3A_32 = arith.constant 0 : index
    %get3A_33 = tpu.vector_load %arg14[%get3A_32] {strides = array<i32>} : memref<128xf32, #tpu.memory_space<vmem>>, vector<16xf32>,
    %get3A_34 = vector.shape_cast %get3A_33 : vector<16xf32> to vector<16xf32>
    %scan3A_35 = arith.constant 0 : i32
    %scan3A_36 = arith.constant 42 : i32
    %scan3A_37 = arith.addi %scan3A_35, %scan3A_36 : i32
    %scan3A_38 = arith.constant 1 : i32
    scf.for %scan3A_61 = %scan3A_35 to %scan3A_37 step %scan3A_38  : i32 {
      %mul3A_62 = arith.constant 1 : i32
      %mul3A_63 = arith.muli %scan3A_61, %mul3A_62 : i32
      %add3A_64 = arith.constant 0 : i32
      %add3A_65 = arith.addi %add3A_64, %mul3A_63 : i32
      %ge3A = arith.constant 2 : i32
      %ge3A_66 = arith.cmpi sge, %add3A_65, %ge3A : i32
      %convert_element_type3A = arith.extui %ge3A_66 : i1 to i32
      %cond3A = arith.constant 0 : i32
      %cond3A_67 = arith.cmpi ne, %convert_element_type3A, %cond3A : i32
      scf.if %cond3A_67 {
        %sub3A = arith.constant 2 : i32
        %sub3A_79 = arith.subi %add3A_65, %sub3A : i32
        %jit3A = arith.constant 2 : i32
        %eq3A = arith.constant 0 : i32
        %eq3A_80 = arith.cmpi eq, %jit3A, %eq3A : i32
        %jit3A_81 = arith.constant 1 : i32
        %select_n3A = arith.select %eq3A_80, %jit3A_81, %jit3A : i32
        %rem3A = arith.remsi %sub3A_79, %select_n3A : i32
        %ne3A = arith.constant 0 : i32
        %ne3A_82 = arith.cmpi ne, %rem3A, %ne3A : i32
        %lt3A_83 = arith.constant 0 : i32
        %lt3A_84 = arith.cmpi slt, %rem3A, %lt3A_83 : i32
        %lt3A_85 = arith.constant 0 : i32
        %lt3A_86 = arith.cmpi slt, %select_n3A, %lt3A_85 : i32
        %ne3A_87 = arith.xori %lt3A_84, %lt3A_86 : i1
        %and3A_88 = arith.andi %ne3A_87, %ne3A_82 : i1
        %add3A_89 = arith.addi %rem3A, %select_n3A : i32
        %select_n3A_90 = arith.select %and3A_88, %add3A_89, %rem3A : i32
        %dma_wait3A = arith.constant 0 : i32
        %dma_wait3A_91 = arith.constant 0 : i32
        %dma_wait3A_92 = tpu.memref_slice %arg12[%select_n3A_90, %dma_wait3A, %dma_wait3A_91] : memref<2x128x128xf32, #tpu.memory_space<vmem>> -> memref<1x128x128xf32, #tpu.memory_space<vmem>>
        %dma_wait3A_93 = tpu.memref_squeeze %dma_wait3A_92 : memref<1x128x128xf32, #tpu.memory_space<vmem>> -> memref<128x128xf32, #tpu.memory_space<vmem>>
        %dma_wait3A_94 = arith.constant 0 : i32
        %dma_wait3A_95 = tpu.memref_slice %arg10[%sub3A_79, %dma_wait3A_94] : memref<40x128xi32, #tpu.memory_space<vmem>> -> memref<1x128xi32, #tpu.memory_space<vmem>>
        %dma_wait3A_96 = tpu.memref_squeeze %dma_wait3A_95 : memref<1x128xi32, #tpu.memory_space<vmem>> -> memref<128xi32, #tpu.memory_space<vmem>>
        %dma_wait3A_97 = arith.constant 0 : i32
        %dma_wait3A_98 = arith.constant 0 : i32
        %dma_wait3A_99 = tpu.memref_slice %arg15[%dma_wait3A_97, %dma_wait3A_98] : memref<10240x128xf32, #tpu.memory_space<vmem_shared>> -> memref<10240x128xf32, #tpu.memory_space<vmem_shared>>
        tpu.wait_indirect_dma semaphore(%arg17 : memref<!tpu.dma_semaphore, #tpu.memory_space<semaphore_mem>>) src(%dma_wait3A_93 : memref<128x128xf32, #tpu.memory_space<vmem>>) dst(%dma_wait3A_99 : memref<10240x128xf32, #tpu.memory_space<vmem_shared>>)
      } else {
      }
      %lt3A = arith.constant 40 : i32
      %lt3A_68 = arith.cmpi slt, %add3A_65, %lt3A : i32
      %convert_element_type3A_69 = arith.extui %lt3A_68 : i1 to i32
      %cond3A_70 = arith.constant 0 : i32
      %cond3A_71 = arith.cmpi ne, %convert_element_type3A_69, %cond3A_70 : i32
      scf.if %cond3A_71 {
        %jit3A = arith.constant 2 : i32
        %eq3A = arith.constant 0 : i32
        %eq3A_79 = arith.cmpi eq, %jit3A, %eq3A : i32
        %jit3A_80 = arith.constant 1 : i32
        %select_n3A = arith.select %eq3A_79, %jit3A_80, %jit3A : i32
        %rem3A = arith.remsi %add3A_65, %select_n3A : i32
        %ne3A = arith.constant 0 : i32
        %ne3A_81 = arith.cmpi ne, %rem3A, %ne3A : i32
        %lt3A_82 = arith.constant 0 : i32
        %lt3A_83 = arith.cmpi slt, %rem3A, %lt3A_82 : i32
        %lt3A_84 = arith.constant 0 : i32
        %lt3A_85 = arith.cmpi slt, %select_n3A, %lt3A_84 : i32
        %ne3A_86 = arith.xori %lt3A_83, %lt3A_85 : i1
        %and3A_87 = arith.andi %ne3A_86, %ne3A_81 : i1
        %add3A_88 = arith.addi %rem3A, %select_n3A : i32
        %select_n3A_89 = arith.select %and3A_87, %add3A_88, %rem3A : i32
        %dma_start3A = arith.constant 0 : i32
        %dma_start3A_90 = arith.constant 0 : i32
        %dma_start3A_91 = tpu.memref_slice %arg12[%select_n3A_89, %dma_start3A, %dma_start3A_90] : memref<2x128x128xf32, #tpu.memory_space<vmem>> -> memref<1x128x128xf32, #tpu.memory_space<vmem>>
        %dma_start3A_92 = tpu.memref_squeeze %dma_start3A_91 : memref<1x128x128xf32, #tpu.memory_space<vmem>> -> memref<128x128xf32, #tpu.memory_space<vmem>>
        %dma_start3A_93 = arith.constant 0 : i32
        %dma_start3A_94 = arith.constant 0 : i32
        %dma_start3A_95 = tpu.memref_slice %dma_start3A_92[%dma_start3A_93, %dma_start3A_94] : memref<128x128xf32, #tpu.memory_space<vmem>> -> memref<32x128xf32, #tpu.memory_space<vmem>>
        %dma_start3A_96 = arith.constant 0 : i32
        %dma_start3A_97 = tpu.memref_slice %arg9[%add3A_65, %dma_start3A_96] : memref<40x128xi32, #tpu.memory_space<vmem>> -> memref<1x128xi32, #tpu.memory_space<vmem>>
        %dma_start3A_98 = tpu.memref_squeeze %dma_start3A_97 : memref<1x128xi32, #tpu.memory_space<vmem>> -> memref<128xi32, #tpu.memory_space<vmem>>
        %dma_start3A_99 = arith.constant 0 : i32
        %dma_start3A_100 = tpu.memref_slice %dma_start3A_98[%dma_start3A_99] : memref<128xi32, #tpu.memory_space<vmem>> -> memref<32xi32, #tpu.memory_space<vmem>>
        %dma_start3A_101 = arith.constant 0 : i32
        %dma_start3A_102 = arith.constant 0 : i32
        %dma_start3A_103 = tpu.memref_slice %arg2[%dma_start3A_101, %dma_start3A_102] : memref<10000x128xf32, #tpu.memory_space<hbm>> -> memref<10000x128xf32, #tpu.memory_space<hbm>>
        tpu.enqueue_indirect_dma source(%dma_start3A_103 : memref<10000x128xf32, #tpu.memory_space<hbm>>) target(%dma_start3A_95 : memref<32x128xf32, #tpu.memory_space<vmem>>) offsets(%dma_start3A_100 : memref<32xi32, #tpu.memory_space<vmem>>) semaphore(%arg16 : memref<!tpu.dma_semaphore, #tpu.memory_space<semaphore_mem>>)
        %jit3A_104 = arith.constant 2 : i32
        %eq3A_105 = arith.constant 0 : i32
        %eq3A_106 = arith.cmpi eq, %jit3A_104, %eq3A_105 : i32
        %jit3A_107 = arith.constant 1 : i32
        %select_n3A_108 = arith.select %eq3A_106, %jit3A_107, %jit3A_104 : i32
        %rem3A_109 = arith.remsi %add3A_65, %select_n3A_108 : i32
        %ne3A_110 = arith.constant 0 : i32
        %ne3A_111 = arith.cmpi ne, %rem3A_109, %ne3A_110 : i32
        %lt3A_112 = arith.constant 0 : i32
        %lt3A_113 = arith.cmpi slt, %rem3A_109, %lt3A_112 : i32
        %lt3A_114 = arith.constant 0 : i32
        %lt3A_115 = arith.cmpi slt, %select_n3A_108, %lt3A_114 : i32
        %ne3A_116 = arith.xori %lt3A_113, %lt3A_115 : i1
        %and3A_117 = arith.andi %ne3A_116, %ne3A_111 : i1
        %add3A_118 = arith.addi %rem3A_109, %select_n3A_108 : i32
        %select_n3A_119 = arith.select %and3A_117, %add3A_118, %rem3A_109 : i32
        %dma_start3A_120 = arith.constant 0 : i32
        %dma_start3A_121 = arith.constant 0 : i32
        %dma_start3A_122 = tpu.memref_slice %arg12[%select_n3A_119, %dma_start3A_120, %dma_start3A_121] : memref<2x128x128xf32, #tpu.memory_space<vmem>> -> memref<1x128x128xf32, #tpu.memory_space<vmem>>
        %dma_start3A_123 = tpu.memref_squeeze %dma_start3A_122 : memref<1x128x128xf32, #tpu.memory_space<vmem>> -> memref<128x128xf32, #tpu.memory_space<vmem>>
        %dma_start3A_124 = arith.constant 32 : i32
        %dma_start3A_125 = arith.constant 0 : i32
        %dma_start3A_126 = tpu.memref_slice %dma_start3A_123[%dma_start3A_124, %dma_start3A_125] : memref<128x128xf32, #tpu.memory_space<vmem>> -> memref<32x128xf32, #tpu.memory_space<vmem>>
        %dma_start3A_127 = arith.constant 0 : i32
        %dma_start3A_128 = tpu.memref_slice %arg9[%add3A_65, %dma_start3A_127] : memref<40x128xi32, #tpu.memory_space<vmem>> -> memref<1x128xi32, #tpu.memory_space<vmem>>
        %dma_start3A_129 = tpu.memref_squeeze %dma_start3A_128 : memref<1x128xi32, #tpu.memory_space<vmem>> -> memref<128xi32, #tpu.memory_space<vmem>>
        %dma_start3A_130 = arith.constant 32 : i32
        %dma_start3A_131 = tpu.memref_slice %dma_start3A_129[%dma_start3A_130] : memref<128xi32, #tpu.memory_space<vmem>> -> memref<32xi32, #tpu.memory_space<vmem>>
        %dma_start3A_132 = arith.constant 0 : i32
        %dma_start3A_133 = arith.constant 0 : i32
        %dma_start3A_134 = tpu.memref_slice %arg2[%dma_start3A_132, %dma_start3A_133] : memref<10000x128xf32, #tpu.memory_space<hbm>> -> memref<10000x128xf32, #tpu.memory_space<hbm>>
        tpu.enqueue_indirect_dma source(%dma_start3A_134 : memref<10000x128xf32, #tpu.memory_space<hbm>>) target(%dma_start3A_126 : memref<32x128xf32, #tpu.memory_space<vmem>>) offsets(%dma_start3A_131 : memref<32xi32, #tpu.memory_space<vmem>>) semaphore(%arg16 : memref<!tpu.dma_semaphore, #tpu.memory_space<semaphore_mem>>)
        %jit3A_135 = arith.constant 2 : i32
        %eq3A_136 = arith.constant 0 : i32
        %eq3A_137 = arith.cmpi eq, %jit3A_135, %eq3A_136 : i32
        %jit3A_138 = arith.constant 1 : i32
        %select_n3A_139 = arith.select %eq3A_137, %jit3A_138, %jit3A_135 : i32
        %rem3A_140 = arith.remsi %add3A_65, %select_n3A_139 : i32
        %ne3A_141 = arith.constant 0 : i32
        %ne3A_142 = arith.cmpi ne, %rem3A_140, %ne3A_141 : i32
        %lt3A_143 = arith.constant 0 : i32
        %lt3A_144 = arith.cmpi slt, %rem3A_140, %lt3A_143 : i32
        %lt3A_145 = arith.constant 0 : i32
        %lt3A_146 = arith.cmpi slt, %select_n3A_139, %lt3A_145 : i32
        %ne3A_147 = arith.xori %lt3A_144, %lt3A_146 : i1
        %and3A_148 = arith.andi %ne3A_147, %ne3A_142 : i1
        %add3A_149 = arith.addi %rem3A_140, %select_n3A_139 : i32
        %select_n3A_150 = arith.select %and3A_148, %add3A_149, %rem3A_140 : i32
        %dma_start3A_151 = arith.constant 0 : i32
        %dma_start3A_152 = arith.constant 0 : i32
        %dma_start3A_153 = tpu.memref_slice %arg12[%select_n3A_150, %dma_start3A_151, %dma_start3A_152] : memref<2x128x128xf32, #tpu.memory_space<vmem>> -> memref<1x128x128xf32, #tpu.memory_space<vmem>>
        %dma_start3A_154 = tpu.memref_squeeze %dma_start3A_153 : memref<1x128x128xf32, #tpu.memory_space<vmem>> -> memref<128x128xf32, #tpu.memory_space<vmem>>
        %dma_start3A_155 = arith.constant 64 : i32
        %dma_start3A_156 = arith.constant 0 : i32
        %dma_start3A_157 = tpu.memref_slice %dma_start3A_154[%dma_start3A_155, %dma_start3A_156] : memref<128x128xf32, #tpu.memory_space<vmem>> -> memref<32x128xf32, #tpu.memory_space<vmem>>
        %dma_start3A_158 = arith.constant 0 : i32
        %dma_start3A_159 = tpu.memref_slice %arg9[%add3A_65, %dma_start3A_158] : memref<40x128xi32, #tpu.memory_space<vmem>> -> memref<1x128xi32, #tpu.memory_space<vmem>>
        %dma_start3A_160 = tpu.memref_squeeze %dma_start3A_159 : memref<1x128xi32, #tpu.memory_space<vmem>> -> memref<128xi32, #tpu.memory_space<vmem>>
        %dma_start3A_161 = arith.constant 64 : i32
        %dma_start3A_162 = tpu.memref_slice %dma_start3A_160[%dma_start3A_161] : memref<128xi32, #tpu.memory_space<vmem>> -> memref<32xi32, #tpu.memory_space<vmem>>
        %dma_start3A_163 = arith.constant 0 : i32
        %dma_start3A_164 = arith.constant 0 : i32
        %dma_start3A_165 = tpu.memref_slice %arg2[%dma_start3A_163, %dma_start3A_164] : memref<10000x128xf32, #tpu.memory_space<hbm>> -> memref<10000x128xf32, #tpu.memory_space<hbm>>
        tpu.enqueue_indirect_dma source(%dma_start3A_165 : memref<10000x128xf32, #tpu.memory_space<hbm>>) target(%dma_start3A_157 : memref<32x128xf32, #tpu.memory_space<vmem>>) offsets(%dma_start3A_162 : memref<32xi32, #tpu.memory_space<vmem>>) semaphore(%arg16 : memref<!tpu.dma_semaphore, #tpu.memory_space<semaphore_mem>>)
        %jit3A_166 = arith.constant 2 : i32
        %eq3A_167 = arith.constant 0 : i32
        %eq3A_168 = arith.cmpi eq, %jit3A_166, %eq3A_167 : i32
        %jit3A_169 = arith.constant 1 : i32
        %select_n3A_170 = arith.select %eq3A_168, %jit3A_169, %jit3A_166 : i32
        %rem3A_171 = arith.remsi %add3A_65, %select_n3A_170 : i32
        %ne3A_172 = arith.constant 0 : i32
        %ne3A_173 = arith.cmpi ne, %rem3A_171, %ne3A_172 : i32
        %lt3A_174 = arith.constant 0 : i32
        %lt3A_175 = arith.cmpi slt, %rem3A_171, %lt3A_174 : i32
        %lt3A_176 = arith.constant 0 : i32
        %lt3A_177 = arith.cmpi slt, %select_n3A_170, %lt3A_176 : i32
        %ne3A_178 = arith.xori %lt3A_175, %lt3A_177 : i1
        %and3A_179 = arith.andi %ne3A_178, %ne3A_173 : i1
        %add3A_180 = arith.addi %rem3A_171, %select_n3A_170 : i32
        %select_n3A_181 = arith.select %and3A_179, %add3A_180, %rem3A_171 : i32
        %dma_start3A_182 = arith.constant 0 : i32
        %dma_start3A_183 = arith.constant 0 : i32
        %dma_start3A_184 = tpu.memref_slice %arg12[%select_n3A_181, %dma_start3A_182, %dma_start3A_183] : memref<2x128x128xf32, #tpu.memory_space<vmem>> -> memref<1x128x128xf32, #tpu.memory_space<vmem>>
        %dma_start3A_185 = tpu.memref_squeeze %dma_start3A_184 : memref<1x128x128xf32, #tpu.memory_space<vmem>> -> memref<128x128xf32, #tpu.memory_space<vmem>>
        %dma_start3A_186 = arith.constant 96 : i32
        %dma_start3A_187 = arith.constant 0 : i32
        %dma_start3A_188 = tpu.memref_slice %dma_start3A_185[%dma_start3A_186, %dma_start3A_187] : memref<128x128xf32, #tpu.memory_space<vmem>> -> memref<32x128xf32, #tpu.memory_space<vmem>>
        %dma_start3A_189 = arith.constant 0 : i32
        %dma_start3A_190 = tpu.memref_slice %arg9[%add3A_65, %dma_start3A_189] : memref<40x128xi32, #tpu.memory_space<vmem>> -> memref<1x128xi32, #tpu.memory_space<vmem>>
        %dma_start3A_191 = tpu.memref_squeeze %dma_start3A_190 : memref<1x128xi32, #tpu.memory_space<vmem>> -> memref<128xi32, #tpu.memory_space<vmem>>
        %dma_start3A_192 = arith.constant 96 : i32
        %dma_start3A_193 = tpu.memref_slice %dma_start3A_191[%dma_start3A_192] : memref<128xi32, #tpu.memory_space<vmem>> -> memref<32xi32, #tpu.memory_space<vmem>>
        %dma_start3A_194 = arith.constant 0 : i32
        %dma_start3A_195 = arith.constant 0 : i32
        %dma_start3A_196 = tpu.memref_slice %arg2[%dma_start3A_194, %dma_start3A_195] : memref<10000x128xf32, #tpu.memory_space<hbm>> -> memref<10000x128xf32, #tpu.memory_space<hbm>>
        tpu.enqueue_indirect_dma source(%dma_start3A_196 : memref<10000x128xf32, #tpu.memory_space<hbm>>) target(%dma_start3A_188 : memref<32x128xf32, #tpu.memory_space<vmem>>) offsets(%dma_start3A_193 : memref<32xi32, #tpu.memory_space<vmem>>) semaphore(%arg16 : memref<!tpu.dma_semaphore, #tpu.memory_space<semaphore_mem>>)
      } else {
      }
      %ge3A_72 = arith.constant 1 : i32
      %ge3A_73 = arith.cmpi sge, %add3A_65, %ge3A_72 : i32
      %lt3A_74 = arith.constant 41 : i32
      %lt3A_75 = arith.cmpi slt, %add3A_65, %lt3A_74 : i32
      %and3A = arith.andi %ge3A_73, %lt3A_75 : i1
      %convert_element_type3A_76 = arith.extui %and3A : i1 to i32
      %cond3A_77 = arith.constant 0 : i32
      %cond3A_78 = arith.cmpi ne, %convert_element_type3A_76, %cond3A_77 : i32
      scf.if %cond3A_78 {
        %sub3A = arith.constant 1 : i32
        %sub3A_79 = arith.subi %add3A_65, %sub3A : i32
        %jit3A = arith.constant 2 : i32
        %eq3A = arith.constant 0 : i32
        %eq3A_80 = arith.cmpi eq, %jit3A, %eq3A : i32
        %jit3A_81 = arith.constant 1 : i32
        %select_n3A = arith.select %eq3A_80, %jit3A_81, %jit3A : i32
        %rem3A = arith.remsi %sub3A_79, %select_n3A : i32
        %ne3A = arith.constant 0 : i32
        %ne3A_82 = arith.cmpi ne, %rem3A, %ne3A : i32
        %lt3A_83 = arith.constant 0 : i32
        %lt3A_84 = arith.cmpi slt, %rem3A, %lt3A_83 : i32
        %lt3A_85 = arith.constant 0 : i32
        %lt3A_86 = arith.cmpi slt, %select_n3A, %lt3A_85 : i32
        %ne3A_87 = arith.xori %lt3A_84, %lt3A_86 : i1
        %and3A_88 = arith.andi %ne3A_87, %ne3A_82 : i1
        %add3A_89 = arith.addi %rem3A, %select_n3A : i32
        %select_n3A_90 = arith.select %and3A_88, %add3A_89, %rem3A : i32
        %dma_wait3A = arith.constant 0 : i32
        %dma_wait3A_91 = arith.constant 0 : i32
        %dma_wait3A_92 = tpu.memref_slice %arg12[%select_n3A_90, %dma_wait3A, %dma_wait3A_91] : memref<2x128x128xf32, #tpu.memory_space<vmem>> -> memref<1x128x128xf32, #tpu.memory_space<vmem>>
        %dma_wait3A_93 = tpu.memref_squeeze %dma_wait3A_92 : memref<1x128x128xf32, #tpu.memory_space<vmem>> -> memref<128x128xf32, #tpu.memory_space<vmem>>
        %dma_wait3A_94 = arith.constant 0 : i32
        %dma_wait3A_95 = arith.constant 0 : i32
        %dma_wait3A_96 = tpu.memref_slice %dma_wait3A_93[%dma_wait3A_94, %dma_wait3A_95] : memref<128x128xf32, #tpu.memory_space<vmem>> -> memref<32x128xf32, #tpu.memory_space<vmem>>
        %dma_wait3A_97 = arith.constant 0 : i32
        %dma_wait3A_98 = tpu.memref_slice %arg9[%sub3A_79, %dma_wait3A_97] : memref<40x128xi32, #tpu.memory_space<vmem>> -> memref<1x128xi32, #tpu.memory_space<vmem>>
        %dma_wait3A_99 = tpu.memref_squeeze %dma_wait3A_98 : memref<1x128xi32, #tpu.memory_space<vmem>> -> memref<128xi32, #tpu.memory_space<vmem>>
        %dma_wait3A_100 = arith.constant 0 : i32
        %dma_wait3A_101 = tpu.memref_slice %dma_wait3A_99[%dma_wait3A_100] : memref<128xi32, #tpu.memory_space<vmem>> -> memref<32xi32, #tpu.memory_space<vmem>>
        %dma_wait3A_102 = arith.constant 0 : i32
        %dma_wait3A_103 = arith.constant 0 : i32
        %dma_wait3A_104 = tpu.memref_slice %arg2[%dma_wait3A_102, %dma_wait3A_103] : memref<10000x128xf32, #tpu.memory_space<hbm>> -> memref<10000x128xf32, #tpu.memory_space<hbm>>
        tpu.wait_indirect_dma semaphore(%arg16 : memref<!tpu.dma_semaphore, #tpu.memory_space<semaphore_mem>>) src(%dma_wait3A_104 : memref<10000x128xf32, #tpu.memory_space<hbm>>) dst(%dma_wait3A_96 : memref<32x128xf32, #tpu.memory_space<vmem>>)
        %dma_wait3A_105 = arith.constant 0 : i32
        %dma_wait3A_106 = arith.constant 0 : i32
        %dma_wait3A_107 = tpu.memref_slice %arg12[%select_n3A_90, %dma_wait3A_105, %dma_wait3A_106] : memref<2x128x128xf32, #tpu.memory_space<vmem>> -> memref<1x128x128xf32, #tpu.memory_space<vmem>>
        %dma_wait3A_108 = tpu.memref_squeeze %dma_wait3A_107 : memref<1x128x128xf32, #tpu.memory_space<vmem>> -> memref<128x128xf32, #tpu.memory_space<vmem>>
        %dma_wait3A_109 = arith.constant 32 : i32
        %dma_wait3A_110 = arith.constant 0 : i32
        %dma_wait3A_111 = tpu.memref_slice %dma_wait3A_108[%dma_wait3A_109, %dma_wait3A_110] : memref<128x128xf32, #tpu.memory_space<vmem>> -> memref<32x128xf32, #tpu.memory_space<vmem>>
        %dma_wait3A_112 = arith.constant 0 : i32
        %dma_wait3A_113 = tpu.memref_slice %arg9[%sub3A_79, %dma_wait3A_112] : memref<40x128xi32, #tpu.memory_space<vmem>> -> memref<1x128xi32, #tpu.memory_space<vmem>>
        %dma_wait3A_114 = tpu.memref_squeeze %dma_wait3A_113 : memref<1x128xi32, #tpu.memory_space<vmem>> -> memref<128xi32, #tpu.memory_space<vmem>>
        %dma_wait3A_115 = arith.constant 32 : i32
        %dma_wait3A_116 = tpu.memref_slice %dma_wait3A_114[%dma_wait3A_115] : memref<128xi32, #tpu.memory_space<vmem>> -> memref<32xi32, #tpu.memory_space<vmem>>
        %dma_wait3A_117 = arith.constant 0 : i32
        %dma_wait3A_118 = arith.constant 0 : i32
        %dma_wait3A_119 = tpu.memref_slice %arg2[%dma_wait3A_117, %dma_wait3A_118] : memref<10000x128xf32, #tpu.memory_space<hbm>> -> memref<10000x128xf32, #tpu.memory_space<hbm>>
        tpu.wait_indirect_dma semaphore(%arg16 : memref<!tpu.dma_semaphore, #tpu.memory_space<semaphore_mem>>) src(%dma_wait3A_119 : memref<10000x128xf32, #tpu.memory_space<hbm>>) dst(%dma_wait3A_111 : memref<32x128xf32, #tpu.memory_space<vmem>>)
        %dma_wait3A_120 = arith.constant 0 : i32
        %dma_wait3A_121 = arith.constant 0 : i32
        %dma_wait3A_122 = tpu.memref_slice %arg12[%select_n3A_90, %dma_wait3A_120, %dma_wait3A_121] : memref<2x128x128xf32, #tpu.memory_space<vmem>> -> memref<1x128x128xf32, #tpu.memory_space<vmem>>
        %dma_wait3A_123 = tpu.memref_squeeze %dma_wait3A_122 : memref<1x128x128xf32, #tpu.memory_space<vmem>> -> memref<128x128xf32, #tpu.memory_space<vmem>>
        %dma_wait3A_124 = arith.constant 64 : i32
        %dma_wait3A_125 = arith.constant 0 : i32
        %dma_wait3A_126 = tpu.memref_slice %dma_wait3A_123[%dma_wait3A_124, %dma_wait3A_125] : memref<128x128xf32, #tpu.memory_space<vmem>> -> memref<32x128xf32, #tpu.memory_space<vmem>>
        %dma_wait3A_127 = arith.constant 0 : i32
        %dma_wait3A_128 = tpu.memref_slice %arg9[%sub3A_79, %dma_wait3A_127] : memref<40x128xi32, #tpu.memory_space<vmem>> -> memref<1x128xi32, #tpu.memory_space<vmem>>
        %dma_wait3A_129 = tpu.memref_squeeze %dma_wait3A_128 : memref<1x128xi32, #tpu.memory_space<vmem>> -> memref<128xi32, #tpu.memory_space<vmem>>
        %dma_wait3A_130 = arith.constant 64 : i32
        %dma_wait3A_131 = tpu.memref_slice %dma_wait3A_129[%dma_wait3A_130] : memref<128xi32, #tpu.memory_space<vmem>> -> memref<32xi32, #tpu.memory_space<vmem>>
        %dma_wait3A_132 = arith.constant 0 : i32
        %dma_wait3A_133 = arith.constant 0 : i32
        %dma_wait3A_134 = tpu.memref_slice %arg2[%dma_wait3A_132, %dma_wait3A_133] : memref<10000x128xf32, #tpu.memory_space<hbm>> -> memref<10000x128xf32, #tpu.memory_space<hbm>>
        tpu.wait_indirect_dma semaphore(%arg16 : memref<!tpu.dma_semaphore, #tpu.memory_space<semaphore_mem>>) src(%dma_wait3A_134 : memref<10000x128xf32, #tpu.memory_space<hbm>>) dst(%dma_wait3A_126 : memref<32x128xf32, #tpu.memory_space<vmem>>)
        %dma_wait3A_135 = arith.constant 0 : i32
        %dma_wait3A_136 = arith.constant 0 : i32
        %dma_wait3A_137 = tpu.memref_slice %arg12[%select_n3A_90, %dma_wait3A_135, %dma_wait3A_136] : memref<2x128x128xf32, #tpu.memory_space<vmem>> -> memref<1x128x128xf32, #tpu.memory_space<vmem>>
        %dma_wait3A_138 = tpu.memref_squeeze %dma_wait3A_137 : memref<1x128x128xf32, #tpu.memory_space<vmem>> -> memref<128x128xf32, #tpu.memory_space<vmem>>
        %dma_wait3A_139 = arith.constant 96 : i32
        %dma_wait3A_140 = arith.constant 0 : i32
        %dma_wait3A_141 = tpu.memref_slice %dma_wait3A_138[%dma_wait3A_139, %dma_wait3A_140] : memref<128x128xf32, #tpu.memory_space<vmem>> -> memref<32x128xf32, #tpu.memory_space<vmem>>
        %dma_wait3A_142 = arith.constant 0 : i32
        %dma_wait3A_143 = tpu.memref_slice %arg9[%sub3A_79, %dma_wait3A_142] : memref<40x128xi32, #tpu.memory_space<vmem>> -> memref<1x128xi32, #tpu.memory_space<vmem>>
        %dma_wait3A_144 = tpu.memref_squeeze %dma_wait3A_143 : memref<1x128xi32, #tpu.memory_space<vmem>> -> memref<128xi32, #tpu.memory_space<vmem>>
        %dma_wait3A_145 = arith.constant 96 : i32
        %dma_wait3A_146 = tpu.memref_slice %dma_wait3A_144[%dma_wait3A_145] : memref<128xi32, #tpu.memory_space<vmem>> -> memref<32xi32, #tpu.memory_space<vmem>>
        %dma_wait3A_147 = arith.constant 0 : i32
        %dma_wait3A_148 = arith.constant 0 : i32
        %dma_wait3A_149 = tpu.memref_slice %arg2[%dma_wait3A_147, %dma_wait3A_148] : memref<10000x128xf32, #tpu.memory_space<hbm>> -> memref<10000x128xf32, #tpu.memory_space<hbm>>
        tpu.wait_indirect_dma semaphore(%arg16 : memref<!tpu.dma_semaphore, #tpu.memory_space<semaphore_mem>>) src(%dma_wait3A_149 : memref<10000x128xf32, #tpu.memory_space<hbm>>) dst(%dma_wait3A_141 : memref<32x128xf32, #tpu.memory_space<vmem>>)
        %parallel_loop3A = arith.constant 0 : i32
        %parallel_loop3A_150 = arith.constant 8 : i32
        %parallel_loop3A_151 = arith.constant 1 : i32
        scf.for %parallel_loop3A_161 = %parallel_loop3A to %parallel_loop3A_150 step %parallel_loop3A_151  : i32 {
          %parallel_loop3A_162 = arith.constant 16 : i32
          %parallel_loop3A_163 = arith.muli %parallel_loop3A_161, %parallel_loop3A_162 : i32
          %parallel_loop3A_164 = arith.index_cast %sub3A_79 : i32 to index
          %parallel_loop3A_165 = arith.index_cast %parallel_loop3A_163 : i32 to index
          %parallel_loop3A_166 = tpu.vector_load %arg11[%parallel_loop3A_164, %parallel_loop3A_165] {strides = array<i32>} : memref<40x128xf32, #tpu.memory_space<vmem>>, vector<1x16xf32>,
          %parallel_loop3A_167 = vector.shape_cast %parallel_loop3A_166 : vector<1x16xf32> to vector<16xf32>
          %parallel_loop3A_168 = arith.constant 0 : i32
          %parallel_loop3A_169 = arith.constant 16 : i32
          %parallel_loop3A_170 = arith.constant 1 : i32
          scf.for %parallel_loop3A_171 = %parallel_loop3A_168 to %parallel_loop3A_169 step %parallel_loop3A_170  : i32 {
            %parallel_loop3A_172 = arith.constant 16 : i32
            %parallel_loop3A_173 = arith.muli %parallel_loop3A_161, %parallel_loop3A_172 : i32
            %parallel_loop3A_174 = arith.addi %parallel_loop3A_173, %parallel_loop3A_171 : i32
            %parallel_loop3A_175 = vector.broadcast %parallel_loop3A_171 : i32 to vector<16x1xi32>
            %parallel_loop3A_176 = vector.shape_cast %parallel_loop3A_175 : vector<16x1xi32> to vector<16xi32>
            %parallel_loop3A_177 = tpu.dynamic_gather %parallel_loop3A_167[%parallel_loop3A_176] in [0] : vector<16xf32>, vector<16xi32> -> vector<16xf32>
            %parallel_loop3A_178 = arith.constant 0 : i32
            %parallel_loop3A_179 = arith.constant 0 : i32
            %parallel_loop3A_180 = tpu.memref_slice %arg12[%select_n3A_90, %parallel_loop3A_178, %parallel_loop3A_179] : memref<2x128x128xf32, #tpu.memory_space<vmem>> -> memref<1x128x128xf32, #tpu.memory_space<vmem>>
            %parallel_loop3A_181 = tpu.memref_squeeze %parallel_loop3A_180 : memref<1x128x128xf32, #tpu.memory_space<vmem>> -> memref<128x128xf32, #tpu.memory_space<vmem>>
            %parallel_loop3A_182 = arith.index_cast %parallel_loop3A_174 : i32 to index
            %parallel_loop3A_183 = arith.constant 0 : index
            %parallel_loop3A_184 = tpu.vector_load %parallel_loop3A_181[%parallel_loop3A_182, %parallel_loop3A_183] {strides = array<i32>} : memref<128x128xf32, #tpu.memory_space<vmem>>, vector<1x16xf32>,
            %parallel_loop3A_185 = vector.shape_cast %parallel_loop3A_184 : vector<1x16xf32> to vector<16xf32>
            %parallel_loop3A_186 = arith.mulf %parallel_loop3A_177, %get3A_31 : vector<16xf32>
            %parallel_loop3A_187 = arith.addf %parallel_loop3A_185, %parallel_loop3A_186 : vector<16xf32>
            %parallel_loop3A_188 = arith.addf %parallel_loop3A_187, %get3A_34 : vector<16xf32>
            %parallel_loop3A_189 = arith.constant 0.000000e+00 : f32
            %parallel_loop3A_190 = vector.broadcast %parallel_loop3A_189 : f32 to vector<16xf32>
            %parallel_loop3A_191 = arith.maximumf %parallel_loop3A_188, %parallel_loop3A_190 : vector<16xf32>
            %parallel_loop3A_192 = arith.constant 0 : i32
            %parallel_loop3A_193 = arith.constant 0 : i32
            %parallel_loop3A_194 = tpu.memref_slice %arg12[%select_n3A_90, %parallel_loop3A_192, %parallel_loop3A_193] : memref<2x128x128xf32, #tpu.memory_space<vmem>> -> memref<1x128x128xf32, #tpu.memory_space<vmem>>
            %parallel_loop3A_195 = tpu.memref_squeeze %parallel_loop3A_194 : memref<1x128x128xf32, #tpu.memory_space<vmem>> -> memref<128x128xf32, #tpu.memory_space<vmem>>
            %parallel_loop3A_196 = arith.index_cast %parallel_loop3A_174 : i32 to index
            %parallel_loop3A_197 = arith.constant 0 : index
            %parallel_loop3A_198 = tpu.vector_load %parallel_loop3A_195[%parallel_loop3A_196, %parallel_loop3A_197] {strides = array<i32>} : memref<128x128xf32, #tpu.memory_space<vmem>>, vector<1x16xf32>,
            %parallel_loop3A_199 = vector.shape_cast %parallel_loop3A_198 : vector<1x16xf32> to vector<16xf32>
            %parallel_loop3A_200 = vector.shape_cast %parallel_loop3A_191 : vector<16xf32> to vector<1x16xf32>
            tpu.vector_store %parallel_loop3A_195[%parallel_loop3A_196, %parallel_loop3A_197], %parallel_loop3A_200 {strides = array<i32>} : memref<128x128xf32, #tpu.memory_space<vmem>>, vector<1x16xf32>,
          } {sc.loop_unroll_factor = 4 : i64, sc.parallel_access}
        } {sc.loop_unroll_factor = 1 : i64, sc.parallel_access}
        %dma_start3A = arith.constant 0 : i32
        %dma_start3A_152 = arith.constant 0 : i32
        %dma_start3A_153 = tpu.memref_slice %arg12[%select_n3A_90, %dma_start3A, %dma_start3A_152] : memref<2x128x128xf32, #tpu.memory_space<vmem>> -> memref<1x128x128xf32, #tpu.memory_space<vmem>>
        %dma_start3A_154 = tpu.memref_squeeze %dma_start3A_153 : memref<1x128x128xf32, #tpu.memory_space<vmem>> -> memref<128x128xf32, #tpu.memory_space<vmem>>
        %dma_start3A_155 = arith.constant 0 : i32
        %dma_start3A_156 = tpu.memref_slice %arg10[%sub3A_79, %dma_start3A_155] : memref<40x128xi32, #tpu.memory_space<vmem>> -> memref<1x128xi32, #tpu.memory_space<vmem>>
        %dma_start3A_157 = tpu.memref_squeeze %dma_start3A_156 : memref<1x128xi32, #tpu.memory_space<vmem>> -> memref<128xi32, #tpu.memory_space<vmem>>
        %dma_start3A_158 = arith.constant 0 : i32
        %dma_start3A_159 = arith.constant 0 : i32
        %dma_start3A_160 = tpu.memref_slice %arg15[%dma_start3A_158, %dma_start3A_159] : memref<10240x128xf32, #tpu.memory_space<vmem_shared>> -> memref<10240x128xf32, #tpu.memory_space<vmem_shared>>
        tpu.enqueue_indirect_dma source(%dma_start3A_154 : memref<128x128xf32, #tpu.memory_space<vmem>>) target(%dma_start3A_160 : memref<10240x128xf32, #tpu.memory_space<vmem_shared>>) offsets(%dma_start3A_157 : memref<128xi32, #tpu.memory_space<vmem>>) semaphore(%arg17 : memref<!tpu.dma_semaphore, #tpu.memory_space<semaphore_mem>>) {add = true}
      } else {
      }
    }
    %scan3A_39 = arith.constant 42 : i32
    %barrier3A_40 = arith.constant 0 : index
    tpu.barrier barrier_id(%barrier3A_40)
    %mul3A_41 = arith.constant 640 : i32
    %mul3A_42 = arith.muli %arg1, %mul3A_41 : i32
    %add3A_43 = arith.constant 0 : i32
    %add3A_44 = arith.addi %mul3A_42, %add3A_43 : i32
    "tpu.region"() ({
      %run_scoped3A_61 = tpu.sem_alloc : memref<!tpu.dma_semaphore, #tpu.memory_space<semaphore_mem>>
      %dma_start3A = arith.constant 0 : i32
      %dma_start3A_62 = tpu.memref_slice %arg8[%arg0, %add3A_44, %dma_start3A] : memref<2x10240x128xf32, #tpu.memory_space<hbm>> -> memref<1x128x128xf32, #tpu.memory_space<hbm>>
      %dma_start3A_63 = tpu.memref_squeeze %dma_start3A_62 : memref<1x128x128xf32, #tpu.memory_space<hbm>> -> memref<128x128xf32, #tpu.memory_space<hbm>>
      %dma_start3A_64 = arith.constant 0 : i32
      %dma_start3A_65 = tpu.memref_slice %arg15[%add3A_44, %dma_start3A_64] : memref<10240x128xf32, #tpu.memory_space<vmem_shared>> -> memref<128x128xf32, #tpu.memory_space<vmem_shared>>
      tpu.enqueue_dma source(%dma_start3A_65 : memref<128x128xf32, #tpu.memory_space<vmem_shared>>) target(%dma_start3A_63 : memref<128x128xf32, #tpu.memory_space<hbm>>) target_semaphore(%run_scoped3A_61 : memref<!tpu.dma_semaphore, #tpu.memory_space<semaphore_mem>>)
      %dma_wait3A = arith.constant 0 : i32
      %dma_wait3A_66 = tpu.memref_slice %arg8[%arg0, %add3A_44, %dma_wait3A] : memref<2x10240x128xf32, #tpu.memory_space<hbm>> -> memref<1x128x128xf32, #tpu.memory_space<hbm>>
      %dma_wait3A_67 = tpu.memref_squeeze %dma_wait3A_66 : memref<1x128x128xf32, #tpu.memory_space<hbm>> -> memref<128x128xf32, #tpu.memory_space<hbm>>
      %dma_wait3A_68 = arith.constant 0 : i32
      %dma_wait3A_69 = tpu.memref_slice %arg15[%add3A_44, %dma_wait3A_68] : memref<10240x128xf32, #tpu.memory_space<vmem_shared>> -> memref<128x128xf32, #tpu.memory_space<vmem_shared>>
      tpu.wait_dma2 semaphore(%run_scoped3A_61 : memref<!tpu.dma_semaphore, #tpu.memory_space<semaphore_mem>>) src(%dma_wait3A_69 : memref<128x128xf32, #tpu.memory_space<vmem_shared>>) dst(%dma_wait3A_67 : memref<128x128xf32, #tpu.memory_space<hbm>>)
      tpu.yield
    }) : () -> ()
    %mul3A_45 = arith.constant 640 : i32
    %mul3A_46 = arith.muli %arg1, %mul3A_45 : i32
    %add3A_47 = arith.constant 128 : i32
    %add3A_48 = arith.addi %mul3A_46, %add3A_47 : i32
    "tpu.region"() ({
      %run_scoped3A_61 = tpu.sem_alloc : memref<!tpu.dma_semaphore, #tpu.memory_space<semaphore_mem>>
      %dma_start3A = arith.constant 0 : i32
      %dma_start3A_62 = tpu.memref_slice %arg8[%arg0, %add3A_48, %dma_start3A] : memref<2x10240x128xf32, #tpu.memory_space<hbm>> -> memref<1x128x128xf32, #tpu.memory_space<hbm>>
      %dma_start3A_63 = tpu.memref_squeeze %dma_start3A_62 : memref<1x128x128xf32, #tpu.memory_space<hbm>> -> memref<128x128xf32, #tpu.memory_space<hbm>>
      %dma_start3A_64 = arith.constant 0 : i32
      %dma_start3A_65 = tpu.memref_slice %arg15[%add3A_48, %dma_start3A_64] : memref<10240x128xf32, #tpu.memory_space<vmem_shared>> -> memref<128x128xf32, #tpu.memory_space<vmem_shared>>
      tpu.enqueue_dma source(%dma_start3A_65 : memref<128x128xf32, #tpu.memory_space<vmem_shared>>) target(%dma_start3A_63 : memref<128x128xf32, #tpu.memory_space<hbm>>) target_semaphore(%run_scoped3A_61 : memref<!tpu.dma_semaphore, #tpu.memory_space<semaphore_mem>>)
      %dma_wait3A = arith.constant 0 : i32
      %dma_wait3A_66 = tpu.memref_slice %arg8[%arg0, %add3A_48, %dma_wait3A] : memref<2x10240x128xf32, #tpu.memory_space<hbm>> -> memref<1x128x128xf32, #tpu.memory_space<hbm>>
      %dma_wait3A_67 = tpu.memref_squeeze %dma_wait3A_66 : memref<1x128x128xf32, #tpu.memory_space<hbm>> -> memref<128x128xf32, #tpu.memory_space<hbm>>
      %dma_wait3A_68 = arith.constant 0 : i32
      %dma_wait3A_69 = tpu.memref_slice %arg15[%add3A_48, %dma_wait3A_68] : memref<10240x128xf32, #tpu.memory_space<vmem_shared>> -> memref<128x128xf32, #tpu.memory_space<vmem_shared>>
      tpu.wait_dma2 semaphore(%run_scoped3A_61 : memref<!tpu.dma_semaphore, #tpu.memory_space<semaphore_mem>>) src(%dma_wait3A_69 : memref<128x128xf32, #tpu.memory_space<vmem_shared>>) dst(%dma_wait3A_67 : memref<128x128xf32, #tpu.memory_space<hbm>>)
      tpu.yield
    }) : () -> ()
    %mul3A_49 = arith.constant 640 : i32
    %mul3A_50 = arith.muli %arg1, %mul3A_49 : i32
    %add3A_51 = arith.constant 256 : i32
    %add3A_52 = arith.addi %mul3A_50, %add3A_51 : i32
    "tpu.region"() ({
      %run_scoped3A_61 = tpu.sem_alloc : memref<!tpu.dma_semaphore, #tpu.memory_space<semaphore_mem>>
      %dma_start3A = arith.constant 0 : i32
      %dma_start3A_62 = tpu.memref_slice %arg8[%arg0, %add3A_52, %dma_start3A] : memref<2x10240x128xf32, #tpu.memory_space<hbm>> -> memref<1x128x128xf32, #tpu.memory_space<hbm>>
      %dma_start3A_63 = tpu.memref_squeeze %dma_start3A_62 : memref<1x128x128xf32, #tpu.memory_space<hbm>> -> memref<128x128xf32, #tpu.memory_space<hbm>>
      %dma_start3A_64 = arith.constant 0 : i32
      %dma_start3A_65 = tpu.memref_slice %arg15[%add3A_52, %dma_start3A_64] : memref<10240x128xf32, #tpu.memory_space<vmem_shared>> -> memref<128x128xf32, #tpu.memory_space<vmem_shared>>
      tpu.enqueue_dma source(%dma_start3A_65 : memref<128x128xf32, #tpu.memory_space<vmem_shared>>) target(%dma_start3A_63 : memref<128x128xf32, #tpu.memory_space<hbm>>) target_semaphore(%run_scoped3A_61 : memref<!tpu.dma_semaphore, #tpu.memory_space<semaphore_mem>>)
      %dma_wait3A = arith.constant 0 : i32
      %dma_wait3A_66 = tpu.memref_slice %arg8[%arg0, %add3A_52, %dma_wait3A] : memref<2x10240x128xf32, #tpu.memory_space<hbm>> -> memref<1x128x128xf32, #tpu.memory_space<hbm>>
      %dma_wait3A_67 = tpu.memref_squeeze %dma_wait3A_66 : memref<1x128x128xf32, #tpu.memory_space<hbm>> -> memref<128x128xf32, #tpu.memory_space<hbm>>
      %dma_wait3A_68 = arith.constant 0 : i32
      %dma_wait3A_69 = tpu.memref_slice %arg15[%add3A_52, %dma_wait3A_68] : memref<10240x128xf32, #tpu.memory_space<vmem_shared>> -> memref<128x128xf32, #tpu.memory_space<vmem_shared>>
      tpu.wait_dma2 semaphore(%run_scoped3A_61 : memref<!tpu.dma_semaphore, #tpu.memory_space<semaphore_mem>>) src(%dma_wait3A_69 : memref<128x128xf32, #tpu.memory_space<vmem_shared>>) dst(%dma_wait3A_67 : memref<128x128xf32, #tpu.memory_space<hbm>>)
      tpu.yield
    }) : () -> ()
    %mul3A_53 = arith.constant 640 : i32
    %mul3A_54 = arith.muli %arg1, %mul3A_53 : i32
    %add3A_55 = arith.constant 384 : i32
    %add3A_56 = arith.addi %mul3A_54, %add3A_55 : i32
    "tpu.region"() ({
      %run_scoped3A_61 = tpu.sem_alloc : memref<!tpu.dma_semaphore, #tpu.memory_space<semaphore_mem>>
      %dma_start3A = arith.constant 0 : i32
      %dma_start3A_62 = tpu.memref_slice %arg8[%arg0, %add3A_56, %dma_start3A] : memref<2x10240x128xf32, #tpu.memory_space<hbm>> -> memref<1x128x128xf32, #tpu.memory_space<hbm>>
      %dma_start3A_63 = tpu.memref_squeeze %dma_start3A_62 : memref<1x128x128xf32, #tpu.memory_space<hbm>> -> memref<128x128xf32, #tpu.memory_space<hbm>>
      %dma_start3A_64 = arith.constant 0 : i32
      %dma_start3A_65 = tpu.memref_slice %arg15[%add3A_56, %dma_start3A_64] : memref<10240x128xf32, #tpu.memory_space<vmem_shared>> -> memref<128x128xf32, #tpu.memory_space<vmem_shared>>
      tpu.enqueue_dma source(%dma_start3A_65 : memref<128x128xf32, #tpu.memory_space<vmem_shared>>) target(%dma_start3A_63 : memref<128x128xf32, #tpu.memory_space<hbm>>) target_semaphore(%run_scoped3A_61 : memref<!tpu.dma_semaphore, #tpu.memory_space<semaphore_mem>>)
      %dma_wait3A = arith.constant 0 : i32
      %dma_wait3A_66 = tpu.memref_slice %arg8[%arg0, %add3A_56, %dma_wait3A] : memref<2x10240x128xf32, #tpu.memory_space<hbm>> -> memref<1x128x128xf32, #tpu.memory_space<hbm>>
      %dma_wait3A_67 = tpu.memref_squeeze %dma_wait3A_66 : memref<1x128x128xf32, #tpu.memory_space<hbm>> -> memref<128x128xf32, #tpu.memory_space<hbm>>
      %dma_wait3A_68 = arith.constant 0 : i32
      %dma_wait3A_69 = tpu.memref_slice %arg15[%add3A_56, %dma_wait3A_68] : memref<10240x128xf32, #tpu.memory_space<vmem_shared>> -> memref<128x128xf32, #tpu.memory_space<vmem_shared>>
      tpu.wait_dma2 semaphore(%run_scoped3A_61 : memref<!tpu.dma_semaphore, #tpu.memory_space<semaphore_mem>>) src(%dma_wait3A_69 : memref<128x128xf32, #tpu.memory_space<vmem_shared>>) dst(%dma_wait3A_67 : memref<128x128xf32, #tpu.memory_space<hbm>>)
      tpu.yield
    }) : () -> ()
    %mul3A_57 = arith.constant 640 : i32
    %mul3A_58 = arith.muli %arg1, %mul3A_57 : i32
    %add3A_59 = arith.constant 512 : i32
    %add3A_60 = arith.addi %mul3A_58, %add3A_59 : i32
    "tpu.region"() ({
      %run_scoped3A_61 = tpu.sem_alloc : memref<!tpu.dma_semaphore, #tpu.memory_space<semaphore_mem>>
      %dma_start3A = arith.constant 0 : i32
      %dma_start3A_62 = tpu.memref_slice %arg8[%arg0, %add3A_60, %dma_start3A] : memref<2x10240x128xf32, #tpu.memory_space<hbm>> -> memref<1x128x128xf32, #tpu.memory_space<hbm>>
      %dma_start3A_63 = tpu.memref_squeeze %dma_start3A_62 : memref<1x128x128xf32, #tpu.memory_space<hbm>> -> memref<128x128xf32, #tpu.memory_space<hbm>>
      %dma_start3A_64 = arith.constant 0 : i32
      %dma_start3A_65 = tpu.memref_slice %arg15[%add3A_60, %dma_start3A_64] : memref<10240x128xf32, #tpu.memory_space<vmem_shared>> -> memref<128x128xf32, #tpu.memory_space<vmem_shared>>
      tpu.enqueue_dma source(%dma_start3A_65 : memref<128x128xf32, #tpu.memory_space<vmem_shared>>) target(%dma_start3A_63 : memref<128x128xf32, #tpu.memory_space<hbm>>) target_semaphore(%run_scoped3A_61 : memref<!tpu.dma_semaphore, #tpu.memory_space<semaphore_mem>>)
      %dma_wait3A = arith.constant 0 : i32
      %dma_wait3A_66 = tpu.memref_slice %arg8[%arg0, %add3A_60, %dma_wait3A] : memref<2x10240x128xf32, #tpu.memory_space<hbm>> -> memref<1x128x128xf32, #tpu.memory_space<hbm>>
      %dma_wait3A_67 = tpu.memref_squeeze %dma_wait3A_66 : memref<1x128x128xf32, #tpu.memory_space<hbm>> -> memref<128x128xf32, #tpu.memory_space<hbm>>
      %dma_wait3A_68 = arith.constant 0 : i32
      %dma_wait3A_69 = tpu.memref_slice %arg15[%add3A_60, %dma_wait3A_68] : memref<10240x128xf32, #tpu.memory_space<vmem_shared>> -> memref<128x128xf32, #tpu.memory_space<vmem_shared>>
      tpu.wait_dma2 semaphore(%run_scoped3A_61 : memref<!tpu.dma_semaphore, #tpu.memory_space<semaphore_mem>>) src(%dma_wait3A_69 : memref<128x128xf32, #tpu.memory_space<vmem_shared>>) dst(%dma_wait3A_67 : memref<128x128xf32, #tpu.memory_space<hbm>>)
      tpu.yield
    }) : () -> ()
    return
  }
}

</mosaic_0001>

<sc_bundles>
// kernel: _edge_phase.3.cloned.1.call-start
scs
__scs_entry_jumppad:
0x0: {  	(pc) =	sbr.rel $0x88, $3  }
0x1: {  	(tag) =	ssettag $0x0;
	lr =	simm.s32 $0x1  }
0x2: {  	[smem:$0x3F9B] =	sst lr;
	_ =	strace $0xD0000000  }
0x3: {  	_ = 	snop  }
0x4: {  	_ = 	snop  }
0x5: {  	_ = 	snop  }
0x6: {  	_ = 	snop  }
0x7: {  	_ = 	snop  }
__scs_overlays_trampoline_lowered:
0x8: {  	[smem:$0x3FAA] =	sst s0  }
0x9: {  	[smem:$0x3FAB] =	sst s1  }
0xa: {  	[smem:$0x3FAC] =	sst s2  }
0xb: {  	[smem:$0x3FAD] =	sst s3  }
0xc: {  	[smem:$0x3FAE] =	sst s4  }
0xd: {  	[smem:$0x3FAF] =	sst s5  }
0xe: {  	[smem:$0x3FB0] =	sst s6  }
0xf: {  	[smem:$0x3FB1] =	sst s7  }
0x10: {  	[smem:$0x3FB2] =	sst s8  }
0x11: {  	[smem:$0x3FB3] =	sst s9;
	s0 =	simm.s32 @!p0 $0x0  }
0x12: {  	s1 =	sld [smem:$0x3F99];
	s0 =	simm.s32 @p0 $0x1  }
0x13: {  	[smem:$0x3FB4] =	sst s0;
	s0 =	simm.s32 @!p1 $0x0  }
0x14: {  	s2 =	sld [smem:$0x3F98];
	s0 =	simm.s32 @p1 $0x1  }
0x15: {  	[smem:$0x3FB5] =	sst s0;
	s0 =	simm.s32 @!p2 $0x0  }
0x16: {  	s3 =	sld [smem:$0x3FDB];
	s0 =	simm.s32 @p2 $0x1  }
0x17: {  	s4 =	simm.s32 $0x1BF5;
	[smem:$0x3FB7] =	sst s0  }
0x18: {  	s0 =	sld [smem:$0x3F9A];
	_ =	swait.ge [sflag:s4], $0x0  }
0x19: {  	s7 =	sld [smem:$0x3F9B]  }
0x1a: {  	s8 =	sadd.s32 $0xFFFFE003, lr  }
0x1b: {  	s9 =	sadd.s32 $0xFFFFFEF7, lr;
	s5 =	simm.s32 $0xFFFFFFFF;
	p2 =	slt.u32 s8, $0xFFFFF086  }
0x1c: {  	p1 =	slt.u32 s9, $0xF7A;
	s5 =	simm.s32 @!p2 $0x0  }
0x1d: {  	s5 =	simm.s32 @p1 $0x1;
	p0 =	seq.s32 s7, s2  }
0x1e: {  	s7 =	smul.u32 @!p0 $0xF7A, s2;
	p2 =	seq.s32 @!p0 s5, $0x0  }
0x1f: {  	s9 =	smul.u32 $0xF7A, s1;
	s8 =	simm.s32 @!p0 $0x1BF5;
	p2 =	por !p2, p0  }
0x20: {  	[sflag:s8] =	ssyncset.s32 @!p0 $0xFFFFF086;
	s6 =	sadd.s32 @!p0 s3, s7;
	s7 =	simm.s32 @!p0 $0x108  }
0x21: {  	s3 =	sadd.s32 s3, s9;
	s6 =	sadd.s32 @!p0 $0x88, s6;
	s7 =	simm.s32 @p2 $0x1082  }
0x22: {  	[simem:s7], [sflag:s8] =	dma.local @!p0 [hbm:s6], $0xF7A  }
0x23: {  	s9 =	sor.u32 $0xD0000000, s2;
	s6 =	simm.s32 $0x108;
	_ =	swait.ge @!p0 [sflag:s8], $0x0  }
0x24: {  	s3 =	sadd.s32 $0x88, s3;
	s6 =	simm.s32 @!p1 $0x1082;
	[sflag:s4] =	ssyncset.s32 $0xFFFFF086  }
0x25: {  	[simem:s6], [sflag:s4] =	dma.local [hbm:s3], $0xF7A  }
0x26: {  	[smem:$0x3F9B] =	sst s1;
	(tag) =	ssettag s2;
	_ =	strace s9  }
0x27: {  	s1 =	sld [smem:$0x3FAB]  }
0x28: {  	s2 =	sld [smem:$0x3FAC]  }
0x29: {  	s4 =	sld [smem:$0x3FAE]  }
0x2a: {  	p0 =	seq.s32 s5, $0x0;
	s5 =	sld [smem:$0x3FAF]  }
0x2b: {  	s6 =	sld [smem:$0x3FB0]  }
0x2c: {  	s7 =	sld [smem:$0x3FB1]  }
0x2d: {  	s3 =	simm.s32 $0x108;
	s8 =	sld [smem:$0x3FB2]  }
0x2e: {  	s3 =	simm.s32 @!p0 $0x1082;
	s9 =	sld [smem:$0x3FB3]  }
0x2f: {  	lr =	sadd.s32 s0, s3;
	s0 =	sld [smem:$0x3FAA]  }
0x30: {  	s3 =	sld [smem:$0x3FAD]  }
0x31: {  	[smem:$0x3FB6] =	sst s10  }
0x32: {  	s10 =	sld [smem:$0x3FB4];
	_ =	sdelay $0x3  }
0x33: {  	p0 =	seq.s32 s10, $0x1;
	s10 =	sld [smem:$0x3FB6];
	_ =	sdelay $0x3  }
0x34: {  	[smem:$0x3FB6] =	sst s10  }
0x35: {  	s10 =	sld [smem:$0x3FB5];
	_ =	sdelay $0x3  }
0x36: {  	p1 =	seq.s32 s10, $0x1;
	s10 =	sld [smem:$0x3FB6];
	_ =	sdelay $0x3  }
0x37: {  	[smem:$0x3FB6] =	sst s10  }
0x38: {  	s10 =	sld [smem:$0x3FB7]  }
0x39: {  	_ = 	snop;
	(pc) =	sbr.ind lr, $3  }
0x3a: {  	_ = 	snop  }
0x3b: {  	_ = 	snop  }
0x3c: {  	p2 =	seq.s32 s10, $0x1;
	s10 =	sld [smem:$0x3FB6]  }
0x3d: {  	_ =	shalt  }
0x3e: {  	_ =	shalt  }
0x3f: {  	_ =	shalt  }
0x40: {  	_ =	shalt  }
0x41: {  	_ =	shalt  }
0x42: {  	_ =	shalt  }
0x43: {  	_ =	shalt  }
0x44: {  	_ =	shalt  }
0x45: {  	_ =	shalt  }
0x46: {  	_ =	shalt  }
0x47: {  	_ =	shalt  }
0x48: {  	_ =	shalt  }
0x49: {  	_ =	shalt  }
0x4a: {  	_ =	shalt  }
0x4b: {  	_ =	shalt  }
0x4c: {  	_ =	shalt  }
0x4d: {  	_ =	shalt  }
0x4e: {  	_ =	shalt  }
0x4f: {  	_ =	shalt  }
0x50: {  	_ =	shalt  }
0x51: {  	_ =	shalt  }
0x52: {  	_ =	shalt  }
0x53: {  	_ =	shalt  }
0x54: {  	_ =	shalt  }
0x55: {  	_ =	shalt  }
0x56: {  	_ =	shalt  }
0x57: {  	_ =	shalt  }
0x58: {  	_ =	shalt  }
0x59: {  	_ =	shalt  }
0x5a: {  	_ =	shalt  }
0x5b: {  	_ =	shalt  }
0x5c: {  	_ =	shalt  }
0x5d: {  	_ =	shalt  }
0x5e: {  	_ =	shalt  }
0x5f: {  	_ =	shalt  }
0x60: {  	_ =	shalt  }
0x61: {  	_ =	shalt  }
0x62: {  	_ =	shalt  }
0x63: {  	_ =	shalt  }
0x64: {  	_ =	shalt  }
0x65: {  	_ =	shalt  }
0x66: {  	_ =	shalt  }
0x67: {  	_ =	shalt  }
0x68: {  	_ =	shalt  }
0x69: {  	_ =	shalt  }
0x6a: {  	_ =	shalt  }
0x6b: {  	_ =	shalt  }
0x6c: {  	_ =	shalt  }
0x6d: {  	_ =	shalt  }
0x6e: {  	_ =	shalt  }
0x6f: {  	_ =	shalt  }
0x70: {  	_ =	shalt  }
0x71: {  	_ =	shalt  }
0x72: {  	_ =	shalt  }
0x73: {  	_ =	shalt  }
0x74: {  	_ =	shalt  }
0x75: {  	_ =	shalt  }
0x76: {  	_ =	shalt  }
0x77: {  	_ =	shalt  }
0x78: {  	_ =	shalt  }
0x79: {  	_ =	shalt  }
0x7a: {  	_ =	shalt  }
0x7b: {  	_ =	shalt  }
0x7c: {  	_ =	shalt  }
0x7d: {  	_ =	shalt  }
0x7e: {  	_ =	shalt  }
0x7f: {  	_ =	shalt  }
0x80: {  	_ =	shalt  }
0x81: {  	_ =	shalt  }
0x82: {  	_ =	shalt  }
0x83: {  	_ =	shalt  }
0x84: {  	_ =	shalt  }
0x85: {  	_ =	shalt  }
0x86: {  	_ =	shalt  }
0x87: {  	_ =	shalt  }
.Lfunc_end0:
.L_simem_size_0:
called_computation_lowered:
.L_overlay_start_0:
0x88: {  	s2 =	sld [smem:$0x3FD9]  }
0x89: {  	s3 =	sld [smem:$0x3FFE];
	_ =	sdelay $0x1  }
0x8a: {  	s1 =	srdreg.scid  }
0x8b: {  	s0 =	sand.u32 $0x1, s1  }
0x8c: {  	s18 =	sshll.u32 s0, $0xA;
	s2 =	sadd.s32 s3, s2  }
0x8d: {  	s2 =	sadd.s32 s2, s18  }
0x8e: {  	[smem:$0x3FC2] =	sst s2  }
0x8f: {  	_ = 	snop  }
0x90: {  	s2 =	sld [smem:$0x3FC9]  }
0x91: {  	s19 =	sld [smem:$0x3FC8]  }
0x92: {  	s4 =	sld [smem:$0x3FC7]  }
0x93: {  	s5 =	sld [smem:$0x3FC6]  }
0x94: {  	s6 =	sld [smem:$0x3FC5]  }
0x95: {  	s7 =	sld [smem:$0x3FC4]  }
0x96: {  	s8 =	sld [smem:$0x3FD0];
	(tm) =	ssettm $0x1  }
0x97: {  	s9 =	sld [smem:$0x3FFB];
	_ =	sdelay $0x3  }
0x98: {  	_ =	strace s9  }
0x99: {  	s9 =	sld [smem:$0x3FFC];
	_ =	sdelay $0x3  }
0x9a: {  	_ =	strace s9  }
0x9b: {  	s9 =	sld [smem:$0x3FFD];
	_ =	sdelay $0x3  }
0x9c: {  	_ =	strace s9  }
0x9d: {  	_ =	strace $0x8FFFFFFF  }
0x9e: {  	s20 =	sld [smem:$0x3FDB];
	_ =	sdelay $0x1  }
0x9f: {  	s10 =	simm.s32 $_scs_section_size  }
0xa0: {  	s11 =	simm.s32 $_size__tile_overlayer_lowered;
	s12 =	simm.s32 $_tile_overlayer_lowered  }
0xa1: {  	s23 =	simm.s32 $0x1BFF;
	s22 =	sshll.u32 s12, $0x1;
	s9 =	sadd.s32 s10, s20  }
0xa2: {  	s13 =	simm.s32 $0x0;
	s21 =	sshll.u32 s11, $0x1;
	s11 =	sadd.s32 s22, s9  }
0xa3: {  	[timem:s13], [sflag:s23] =	dma.local [hbm:s11], s21  }
0xa4: {  	_ =	swait.ge [sflag:s23], s21  }
0xa5: {  	s10 =	ssub.s32 $0x0, s21;
	[sflag:s23] =	ssyncset.done $0x0  }
0xa6: {  	[sflag:s23] =	ssyncadd.s32 s10;
	_ =	sdelay $0x1  }
0xa7: {  	s24 =	simm.s32 $0x1B8B  }
0xa8: {  	_ =	swait.ge [sflag:s24], $0x1  }
0xa9: {  	[sflag:s24] =	ssyncset.done $0x0  }
0xaa: {  	s25 =	simm.s32 $0x1B8E;
	[sflag:s24] =	ssyncadd.s32 $0xFFFFFFFF  }
0xab: {  	s26 =	simm.s32 $execute0_lowered;
	[smem:$0x3FD2] =	sst s25  }
0xac: {  	s10 =	sshll.u32 s26, $0x1;
	_ =	strace $0x80000046;
	[dreg:$0x1] =	wrdreg $0xFFFFFFFF  }
0xad: {  	s28 =	simm.s32 $_size_execute0_lowered;
	s9 =	sadd.s32 s9, s10;
	[dreg:$0x0] =	wrdreg $0x0  }
0xae: {  	s10 =	sshll.u32 s28, $0x1;
	[dreg:$0x2] =	wrdreg s9  }
0xaf: {  	[dreg:$0x3] =	wrdreg s10  }
0xb0: {  	[dreg:$0x4] =	wrdreg $0xC0  }
0xb1: {  	_ =	task [dreg:s13], $0x5FFFF  }
0xb2: {  	[dreg:$0x1] =	wrdreg $0xFFFFFFFF  }
0xb3: {  	[dreg:$0x0] =	wrdreg $0x60  }
0xb4: {  	[dreg:$0x2] =	wrdreg s2  }
0xb5: {  	[dreg:$0x3] =	wrdreg s19  }
0xb6: {  	[dreg:$0x4] =	wrdreg s4  }
0xb7: {  	[dreg:$0x5] =	wrdreg s5  }
0xb8: {  	[dreg:$0x6] =	wrdreg s6  }
0xb9: {  	[dreg:$0x7] =	wrdreg s7  }
0xba: {  	[dreg:$0x8] =	wrdreg s8  }
0xbb: {  	[dreg:$0x9] =	wrdreg $0xBD000  }
0xbc: {  	[dreg:$0xa] =	wrdreg $0x9  }
0xbd: {  	_ =	task.clear_ibuf [dreg:s13], $0xBFFFF;
	_ =	strace $0x90000046  }
0xbe: {  	s29 =	simm.s32 $0x9;
	_ =	strace $0x80000048  }
0xbf: {  	_ =	swait.ge [sflag:s29], $0x1  }
0xc0: {  	[sflag:s29] =	ssyncadd.s32 $0xFFFFFFFF  }
0xc1: {  	_ =	strace $0x90000048  }
0xc2: {  	_ =	sfence  }
0xc3: {  	s30 =	sld [smem:$0x0];
	_ =	sdelay $0x2  }
0xc4: {  	s31 =	sshll.u32 s1, $0xD;
	s1 =	sshrl.u32 s1, $0x2  }
0xc5: {  	s3 =	sand.u32 $0x4000, s31;
	s1 =	sadd.s32 s1, s30  }
0xc6: {  	s0 =	sor.u32 s3, s0;
	s1 =	sshll.u32 s1, $0x11  }
0xc7: {  	s0 =	sor.u32 s1, s0  }
0xc8: {  	s0 =	sadd.s32 $0x8F2B, s0  }
0xc9: {  	[sflag:s0] =	ssyncadd.remote.s32 $0x1  }
0xca: {  	_ =	sfence.sel $0xFFFF  }
0xcb: {  	[dreg:$0x0] =	wrdreg $0xFFFFFFFF;
	(pc) =	sbr.abs _section_cstart, $3  }
0xcc: {  	[dreg:$0x1] =	wrdreg $0xFFFFFFFF  }
0xcd: {  	_ =	task.clear_ibuf [dreg:s13], $0x2FFFF;
	_ =	strace $0x9FFFFFFF  }
0xce: {  	(tm) =	ssettm $0x7FFFFFFF  }
0xcf: {  	_ =	shalt  }
tec
execute0_lowered:
.L_overlay_start_1:
0x0: {  	(tag) =	ssettag $0x1  }
0x1: {  	s0 =	rddreg [dreg:$0x0]  }
0x2: {  	s1 =	rddreg [dreg:$0x1]  }
0x3: {  	s2 =	rddreg [dreg:$0x2]  }
0x4: {  	s3 =	rddreg [dreg:$0x3]  }
0x5: {  	s4 =	srdreg.scid;
	s7 =	rddreg [dreg:$0x6]  }
0x6: {  	s5 =	rddreg [dreg:$0x7];
	s12 =	stileid.u32  }
0x7: {  	s6 =	simm.s32 $0x0;
	s28 =	simm.s32 $0x20;
	s29 =	simm.s32 $0x1  }
0x8: {  	s30 =	simm.s32 $0x80;
	s31 =	simm.s32 $0x0;
	s11 =	smul.u32 $0x50000, s12  }
0x9: {  	s4 =	sand.u32 $0x1, s4;
	[smem:$0x7FF] =	sst s6;
	s18 =	smul.u32 $0x14000, s12  }
0xa: {  	s8 =	sshll.u32 s4, $0x4;
	s9 =	ssub.s32 $0x2, s4;
	_ =	strace $0x80000047  }
0xb: {  	s22 =	smul.u32 $0x140000, s4;
	s8 =	sor.u32 s12, s8;
	s10 =	sshrl.u32 s9, $0x1  }
0xc: {  	s20 =	sshrl.u32 s11, $0x2;
	s21 =	sadd.s32 $0x4000, s18;
	s23 =	sadd.s32 $0x8000, s18  }
0xd: {  	s24 =	sadd.s32 $0xC000, s18;
	s8 =	smul.u32 $0x280, s8;
	s9 =	ssub.s32 s9, s10  }
0xe: {  	s10 =	sadd.s32 s20, s5;
	s11 =	sadd.s32 s21, s5;
	s12 =	sadd.s32 s23, s5  }
0xf: {  	s13 =	sadd.s32 s24, s5;
	s14 =	sadd.s32 s18, s22;
	s25 =	sadd.s32 s22, s23  }
0x10: {  	s26 =	sadd.s32 s22, s24;
	s23 =	simm.s32 $0x0;
	s15 =	sshrl.u32 s14, $0x3  }
0x11: {  	s4 =	sshrl.u32 s26, $0x3;
	s20 =	smax.u32 s9, $0x1;
	s1 =	sadd.s32 s1, s8  }
0x12: {  	s26 =	simm.s32 $0x3C00;
	s2 =	sadd.s32 s2, s8;
	[dreg:$0x9] =	wrdreg s1  }
0x13: {  	s19 =	sadd.s32 s3, s8;
	s15 =	sadd.s32 s7, s15;
	[dreg:$0xa] =	wrdreg s2  }
.Ltmp0:
0x14: {  	[dreg:$0xb] =	wrdreg s19;
	s1 =	sadd.s32 $0x10000, s18;
	(pc) =	sbr.rel .LBB2_1-.Ltmp0, $4  }
0x15: {  	s2 =	sadd.s32 s22, s21;
	[dreg:$0xc] =	wrdreg s15;
	s18 =	sadd.s32 s7, s4  }
0x16: {  	s14 =	sadd.s32 s1, s5;
	s2 =	sshrl.u32 s2, $0x3;
	s1 =	sadd.s32 s22, s1  }
0x17: {  	s16 =	sadd.s32 s7, s2;
	s2 =	sshrl.u32 s25, $0x3;
	s1 =	sshrl.u32 s1, $0x3  }
0x18: {  	v0 =	vimm.f32 $0.0e+00;
	s21 =	simm.s32 $0x3;
	s17 =	sadd.s32 s7, s2;
	s19 =	sadd.s32 s7, s1  }
.LBB2_11:
0x19: {  	s1 =	stileid.u32  }
0x1a: {  	[bflag:$0x0] =	sbarrier.arrive $0xFFFF;
	s1 =	sshll.u32 s1, $0x6  }
0x1b: {  	s2 =	sshrl.u32 s10, $0x3;
	s3 =	rddreg [dreg:$0xc];
	s1 =	sor.u32 $0x1C03, s1  }
0x1c: {  	[hbm:s3], [sflag:s1] =	dma.local [spmem:s2], $0x800  }
0x1d: {  	_ =	swait.ge [sflag:s21], $0x800  }
0x1e: {  	[sflag:s21] =	ssyncset.done $0x0  }
0x1f: {  	s15 =	sshrl.u32 s11, $0x3;
	[sflag:s21] =	ssyncadd.s32 $0xFFFFF800  }
0x20: {  	[hbm:s16], [sflag:s1] =	dma.local [spmem:s15], $0x800  }
0x21: {  	_ =	swait.ge [sflag:s21], $0x800  }
0x22: {  	[sflag:s21] =	ssyncset.done $0x0  }
0x23: {  	s22 =	sshrl.u32 s12, $0x3;
	[sflag:s21] =	ssyncadd.s32 $0xFFFFF800  }
0x24: {  	[hbm:s17], [sflag:s1] =	dma.local [spmem:s22], $0x800  }
0x25: {  	_ =	swait.ge [sflag:s21], $0x800  }
0x26: {  	[sflag:s21] =	ssyncset.done $0x0  }
0x27: {  	s24 =	sshrl.u32 s13, $0x3;
	[sflag:s21] =	ssyncadd.s32 $0xFFFFF800  }
0x28: {  	[hbm:s18], [sflag:s1] =	dma.local [spmem:s24], $0x800  }
0x29: {  	s31 =	sadd.s32 $0x1, s31;
	_ =	swait.ge [sflag:s21], $0x800  }
0x2a: {  	p0 =	sne.s32 s31, s20;
	[sflag:s21] =	ssyncset.done $0x0  }
.Ltmp1:
0x2b: {  	s25 =	sshrl.u32 s14, $0x3;
	[sflag:s21] =	ssyncadd.s32 $0xFFFFF800;
	(pc) =	sbr.rel @!p0 .LBB2_12-.Ltmp1, $4  }
0x2c: {  	[hbm:s19], [sflag:s1] =	dma.local [spmem:s25], $0x800  }
0x2d: {  	_ =	swait.ge [sflag:s21], $0x800  }
0x2e: {  	[sflag:s21] =	ssyncset.done $0x0  }
0x2f: {  	[sflag:s21] =	ssyncadd.s32 $0xFFFFF800  }
.LBB2_1:
0x30: {  	s1 =	rddreg [dreg:$0x9]  }
0x31: {  	[tilespmem:s6], [sflag:$0x3] =	stream.linear.gather [hbm4b:s1+s6], $0x1400, $0x38;
	[tilespmem:$0x1FD00] =	vst v63  }
0x32: {  	_ =	swait.ge [sflag:s21], $0x1400  }
0x33: {  	[sflag:s21] =	ssyncset.done $0x0  }
0x34: {  	s2 =	simm.s32 $0x1400;
	s7 =	rddreg [dreg:$0xa];
	[sflag:s21] =	ssyncadd.s32 $0xFFFFEC00  }
0x35: {  	[tilespmem:s2], [sflag:$0x3] =	stream.linear.gather [hbm4b:s7+s6], $0x1400, $0x38;
	[tilespmem:$0x1FD00] =	vst v63  }
0x36: {  	_ =	swait.ge [sflag:s21], $0x1400  }
0x37: {  	[sflag:s21] =	ssyncset.done $0x0  }
0x38: {  	s9 =	simm.s32 $0x2800;
	s8 =	rddreg [dreg:$0xb];
	[sflag:s21] =	ssyncadd.s32 $0xFFFFEC00  }
0x39: {  	[tilespmem:s9], [sflag:$0x3] =	stream.linear.gather [hbm4b:s8+s6], $0x1400, $0x38;
	[tilespmem:$0x1FD00] =	vst v63  }
0x3a: {  	_ =	swait.ge [sflag:s21], $0x1400  }
0x3b: {  	[sflag:s21] =	ssyncset.done $0x0  }
0x3c: {  	[sflag:s21] =	ssyncadd.s32 $0xFFFFEC00  }
0x3d: {  	s22 =	simm.s32 $0xBC00;
	s15 =	rddreg [dreg:$0x4]  }
0x3e: {  	[tilespmem:s22], [sflag:$0x3] =	stream.linear.gather [hbm4b:s15+s6], $0x80, $0x38;
	[tilespmem:$0x1FD00] =	vst v63  }
0x3f: {  	_ =	swait.ge [sflag:s21], $0x80  }
0x40: {  	[sflag:s21] =	ssyncset.done $0x0  }
0x41: {  	[sflag:s21] =	ssyncadd.s32 $0xFFFFFF80  }
0x42: {  	s25 =	simm.s32 $0xBC80;
	s24 =	rddreg [dreg:$0x5]  }
0x43: {  	[tilespmem:s25], [sflag:$0x3] =	stream.linear.gather [hbm4b:s24+s6], $0x80, $0x38;
	[tilespmem:$0x1FD00] =	vst v63  }
0x44: {  	_ =	swait.ge [sflag:s21], $0x80  }
0x45: {  	[sflag:s21] =	ssyncset.done $0x0  }
0x46: {  	s1 =	simm.s32 $0x0;
	s2 =	simm.s32 $0x200;
	[sflag:s21] =	ssyncadd.s32 $0xFFFFFF80  }
.LBB2_2:
0x47: {  	p0 =	sne.s32 s2, $0xFE00;
	[tilespmem:s1+$0x3C70] =	vst v0  }
0x48: {  	[tilespmem:s1+$0x3C00] =	vst v0  }
0x49: {  	[tilespmem:s1+$0x3C10] =	vst v0  }
.Ltmp2:
0x4a: {  	[tilespmem:s1+$0x3C20] =	vst v0;
	(pc) =	sbr.rel @p0 .LBB2_2-.Ltmp2, $4  }
0x4b: {  	[tilespmem:s1+$0x3C30] =	vst v0  }
0x4c: {  	[tilespmem:s1+$0x3C40] =	vst v0  }
0x4d: {  	[tilespmem:s1+$0x3C50] =	vst v0  }
0x4e: {  	[tilespmem:s1+$0x3C60] =	vst v0;
	s1 =	sshra.s32 s2, $0x2;
	s2 =	sadd.s32 $0x200, s2  }
0x4f: {  	[tilespmem:s1+$0x3C70] =	vst v0  }
0x50: {  	[tilespmem:s1+$0x3C00] =	vst v0  }
0x51: {  	[tilespmem:s1+$0x3C10] =	vst v0  }
0x52: {  	[tilespmem:s1+$0x3C20] =	vst v0  }
0x53: {  	[tilespmem:s1+$0x3C30] =	vst v0  }
0x54: {  	[tilespmem:s1+$0x3C40] =	vst v0  }
0x55: {  	[tilespmem:s1+$0x3C50] =	vst v0  }
0x56: {  	[tilespmem:s1+$0x3C60] =	vst v0  }
0x57: {  	[spmem:s10] =	stream.linear.scatter [tilespmem:s26], [sflag:$0x3], $0x4000, $0x38;
	[tilespmem:$0x1FD00] =	vst v63  }
0x58: {  	_ =	swait.ge [sflag:s21], $0x4000  }
0x59: {  	[sflag:s21] =	ssyncset.done $0x0  }
0x5a: {  	[sflag:s21] =	ssyncadd.s32 $0xFFFFC000  }
0x5b: {  	[spmem:s11] =	stream.linear.scatter [tilespmem:s26], [sflag:$0x3], $0x4000, $0x38;
	[tilespmem:$0x1FD00] =	vst v63  }
0x5c: {  	_ =	swait.ge [sflag:s21], $0x4000  }
0x5d: {  	[sflag:s21] =	ssyncset.done $0x0  }
0x5e: {  	[sflag:s21] =	ssyncadd.s32 $0xFFFFC000  }
0x5f: {  	[spmem:s12] =	stream.linear.scatter [tilespmem:s26], [sflag:$0x3], $0x4000, $0x38;
	[tilespmem:$0x1FD00] =	vst v63  }
0x60: {  	_ =	swait.ge [sflag:s21], $0x4000  }
0x61: {  	[sflag:s21] =	ssyncset.done $0x0  }
0x62: {  	[sflag:s21] =	ssyncadd.s32 $0xFFFFC000  }
0x63: {  	[spmem:s13] =	stream.linear.scatter [tilespmem:s26], [sflag:$0x3], $0x4000, $0x38;
	[tilespmem:$0x1FD00] =	vst v63  }
0x64: {  	_ =	swait.ge [sflag:s21], $0x4000  }
0x65: {  	[sflag:s21] =	ssyncset.done $0x0  }
0x66: {  	[sflag:s21] =	ssyncadd.s32 $0xFFFFC000  }
0x67: {  	[spmem:s14] =	stream.linear.scatter [tilespmem:s26], [sflag:$0x3], $0x4000, $0x38;
	[tilespmem:$0x1FD00] =	vst v63  }
0x68: {  	_ =	swait.ge [sflag:s21], $0x4000  }
0x69: {  	[sflag:s21] =	ssyncset.done $0x0  }
0x6a: {  	[sflag:s21] =	ssyncadd.s32 $0xFFFFC000  }
0x6b: {  	[bflag:$0x0] =	sbarrier.arrive $0xFFFF  }
.Ltmp3:
0x6c: {  	v2 =	vld [tilespmem:$0xBC80];
	(pc) =	sbr.rel .LBB2_4-.Ltmp3, $3  }
0x6d: {  	_ =	sdelay $0x1  }
0x6e: {  	v1 =	vld [tilespmem:$0xBC00]  }
0x6f: {  	s3 =	simm.s32 $0x0;
	s1 =	simm.s32 $0xFFFFC000  }
.LBB2_10:
0x70: {  	s3 =	sadd.s32 $0x1, s3  }
0x71: {  	p0 =	sne.s32 s3, $0x2A  }
.Ltmp4:
0x72: {  	_ = 	snop;
	(pc) =	sbr.rel @!p0 .LBB2_11-.Ltmp4, $2  }
0x73: {  	_ =	sdelay $0x2  }
0x74: {  	s1 =	sadd.s32 $0x4000, s1  }
.LBB2_4:
0x75: {  	p0 =	slt.u32 s3, $0x2  }
0x76: {  	s2 =	simm.s32 @!p0 $0x2  }
0x77: {  	p1 =	sgt.u32 @!p0 s3, $0x27;
	_ =	swait.ge @!p0 [sflag:s2], $0x4000  }
0x78: {  	p1 =	por p0, !p1;
	[sflag:s2] =	ssyncset.done @!p0 $0x0  }
0x79: {  	[sflag:s2] =	ssyncadd.s32 @!p0 $0xFFFFC000;
	s2 =	sshll.u32 @p1 s3, $0xE  }
0x7a: {  	s4 =	sshll.u32 @p1 s3, $0x7;
	s2 =	sand.u32 @p1 $0x4000, s2  }
0x7b: {  	s4 =	sand.u32 @p1 $0x3FFFFF80, s4;
	s7 =	sor.u32 @p1 $0x3C00, s2  }
0x7c: {  	[tilespmem:s7], [sflag:$0x1] =	stream.indirect.gather @p1 [hbm4b:s0+s28], $0x80, s4, s28, $0xb8;
	[tilespmem:$0x1FD00] =	vst v63  }
0x7d: {  	s8 =	sor.u32 @p1 $0x20, s4;
	s7 =	sadd.s32 @p1 $0x4C00, s2  }
0x7e: {  	[tilespmem:s7], [sflag:$0x1] =	stream.indirect.gather @p1 [hbm4b:s0+s28], $0x80, s8, s28, $0xb8;
	[tilespmem:$0x1FD00] =	vst v63  }
0x7f: {  	s7 =	sadd.s32 @p1 $0x5C00, s2;
	s8 =	sor.u32 @p1 $0x40, s4  }
0x80: {  	[tilespmem:s7], [sflag:$0x1] =	stream.indirect.gather @p1 [hbm4b:s0+s28], $0x80, s8, s28, $0xb8;
	[tilespmem:$0x1FD00] =	vst v63  }
0x81: {  	p0 =	seq.s32 s3, $0x0;
	s2 =	sadd.s32 @p1 $0x6C00, s2;
	s4 =	sor.u32 @p1 $0x60, s4  }
0x82: {  	[tilespmem:s2], [sflag:$0x1] =	stream.indirect.gather @p1 [hbm4b:s0+s28], $0x80, s4, s28, $0xb8;
	[tilespmem:$0x1FD00] =	vst v63  }
0x83: {  	p1 =	seq.s32 @!p0 s3, $0x29  }
0x84: {  	p0 =	por p0, p1  }
.Ltmp5:
0x85: {  	_ = 	snop;
	(pc) =	sbr.rel @p0 .LBB2_10-.Ltmp5, $1  }
0x86: {  	_ =	sdelay $0x3  }
0x87: {  	_ =	swait.ge [sflag:s29], $0x1000  }
0x88: {  	[sflag:s29] =	ssyncset.done $0x0  }
0x89: {  	[sflag:s29] =	ssyncadd.s32 $0xFFFFF000  }
0x8a: {  	_ =	swait.ge [sflag:s29], $0x1000  }
0x8b: {  	[sflag:s29] =	ssyncset.done $0x0  }
0x8c: {  	[sflag:s29] =	ssyncadd.s32 $0xFFFFF000  }
0x8d: {  	_ =	swait.ge [sflag:s29], $0x1000  }
0x8e: {  	s2 =	sand.u32 $0x4000, s1;
	s25 =	sadd.s32 $0xFFFFFFFF, s3;
	[sflag:s29] =	ssyncset.done $0x0  }
0x8f: {  	s7 =	sor.u32 $0x3D00, s2;
	s2 =	sshll.u32 s25, $0x9;
	[sflag:s29] =	ssyncadd.s32 $0xFFFFF000  }
0x90: {  	s4 =	sshll.u32 s25, $0xE;
	s22 =	sshra.s32 s2, $0x2;
	_ =	swait.ge [sflag:s29], $0x1000  }
0x91: {  	s4 =	sand.u32 $0x4000, s4;
	s2 =	sadd.s32 $0x2800, s22;
	[sflag:s29] =	ssyncset.done $0x0  }
0x92: {  	s24 =	simm.s32 $0x0;
	s4 =	sor.u32 $0x3C00, s4;
	v3 =	vmov s2;
	[sflag:s29] =	ssyncadd.s32 $0xFFFFF000  }
.LBB2_6:
0x93: {  	_ =	sdelay $0x2  }
0x94: {  	s2 =	sshll.u32 s24, $0x4  }
0x95: {  	v4 =	vld.idx.msk [tilespmem:v3+s2+$0x0 ss:$0x1], $0xffff;
	_ =	sdelay $0x2  }
0x96: {  	s8 =	simm.s32 $0x3  }
0x97: {  	v6 =	vld [tilespmem:s7+$0x80];
	v5 =	vmov s8  }
0x98: {  	v5 =	vperm.xlane v4, v5;
	_ =	sdelay $0x1  }
0x99: {  	v7 =	vmov s23;
	s9 =	simm.s32 $0x1;
	v8 =	vld [tilespmem:s7+$0xFFFFFF00];
	v5 =	vmul.f32 v5, v1  }
0x9a: {  	s15 =	simm.s32 $0x2;
	v10 =	vld [tilespmem:s7+$0xFFFFFF80];
	v9 =	vmov s9;
	v7 =	vperm.xlane v4, v7  }
0x9b: {  	v11 =	vmov s15;
	v9 =	vperm.xlane v4, v9;
	v13 =	vadd.f32 v5, v6;
	v6 =	vld [tilespmem:s7+$0x0]  }
0x9c: {  	s8 =	simm.s32 $0x4;
	v11 =	vperm.xlane v4, v11;
	v7 =	vmul.f32 v7, v1  }
0x9d: {  	v12 =	vmov s8;
	v9 =	vmul.f32 v9, v1  }
0x9e: {  	s25 =	simm.s32 $0x5;
	s15 =	simm.s32 $0x7;
	v11 =	vmul.f32 v11, v1;
	v5 =	vperm.xlane v4, v12;
	v8 =	vadd.f32 v7, v8  }
0x9f: {  	s9 =	simm.s32 $0x8;
	s2 =	smov.u32 s7;
	v7 =	vmov s25;
	v9 =	vadd.f32 v9, v10;
	s25 =	sadd.s32 $0x200, s7;
	v10 =	vadd.f32 v13, v2  }
.LBB2_7:
0xa0: {  	p0 =	slt.u32 s9, $0xC;
	v12 =	vmov s15;
	v13 =	vld [tilespmem:s25+$0x80];
	v8 =	vadd.f32 v8, v2;
	v6 =	vadd.f32 v11, v6  }
0xa1: {  	s15 =	sadd.s32 $0x2, s8;
	s8 =	smov.u32 s9;
	v11 =	vld [tilespmem:s25+$0xFFFFFF00];
	v12 =	vperm.xlane v4, v12;
	v9 =	vadd.f32 v9, v2;
	v10 =	vmax.f32 v10, $0.0e+00  }
0xa2: {  	v15 =	vmov s15;
	v14 =	vld [tilespmem:s25+$0xFFFFFF80];
	v8 =	vmax.f32 v8, $0.0e+00;
	v16 =	vadd.f32 v6, v2;
	[tilespmem:s2+$0x80] =	vst v10  }
.Ltmp6:
0xa3: {  	v7 =	vperm.xlane v4, v7;
	v6 =	vld [tilespmem:s25+$0x0];
	v10 =	vmul.f32 v12, v1;
	[tilespmem:s2+$0xFFFFFF00] =	vst v8;
	v8 =	vmax.f32 v9, $0.0e+00;
	(pc) =	sbr.rel @p0 .LBB2_7-.Ltmp6, $4  }
0xa4: {  	v9 =	vmul.f32 v5, v1;
	v12 =	vperm.xlane v4, v15;
	[tilespmem:s2+$0xFFFFFF80] =	vst v8;
	v5 =	vmax.f32 v16, $0.0e+00  }
0xa5: {  	v15 =	vmul.f32 v7, v1;
	v8 =	vmov s9;
	v10 =	vadd.f32 v10, v13;
	[tilespmem:s2+$0x0] =	vst v5;
	s2 =	smov.u32 s25  }
0xa6: {  	s15 =	sadd.s32 $0x1, s9;
	v5 =	vperm.xlane v4, v8;
	v8 =	vadd.f32 v9, v11;
	v11 =	vmul.f32 v12, v1  }
0xa7: {  	v7 =	vmov s15;
	s15 =	sadd.s32 $0x3, s8;
	s9 =	sadd.s32 $0x4, s9;
	s25 =	sadd.s32 $0x200, s25;
	v9 =	vadd.f32 v15, v14;
	v10 =	vadd.f32 v10, v2  }
0xa8: {  	v12 =	vmov s15;
	v13 =	vld [tilespmem:s25+$0x80]  }
0xa9: {  	v14 =	vld [tilespmem:s25+$0xFFFFFF00];
	v12 =	vperm.xlane v4, v12  }
0xaa: {  	s8 =	sadd.s32 $0x2, s8;
	v6 =	vadd.f32 v11, v6;
	v58 =	vld [tilespmem:s25+$0xFFFFFF80];
	v7 =	vperm.xlane v4, v7;
	v8 =	vadd.f32 v8, v2  }
0xab: {  	v59 =	vld [tilespmem:s25+$0x0];
	v5 =	vmul.f32 v5, v1;
	v15 =	vmov s8;
	v12 =	vmul.f32 v12, v1  }
0xac: {  	v9 =	vadd.f32 v9, v2;
	v10 =	vmax.f32 v10, $0.0e+00;
	v4 =	vperm.xlane v4, v15  }
0xad: {  	v8 =	vmax.f32 v8, $0.0e+00;
	v7 =	vmul.f32 v7, v1;
	v12 =	vadd.f32 v12, v13  }
0xae: {  	v6 =	vadd.f32 v6, v2;
	[tilespmem:s2+$0x80] =	vst v10;
	v4 =	vmul.f32 v4, v1;
	v5 =	vadd.f32 v5, v14  }
0xaf: {  	s24 =	sadd.s32 $0x1, s24;
	[tilespmem:s2+$0xFFFFFF00] =	vst v8;
	v60 =	vmax.f32 v9, $0.0e+00;
	v7 =	vadd.f32 v7, v58;
	v61 =	vadd.f32 v12, v2  }
0xb0: {  	p0 =	sne.s32 s24, $0x8;
	[tilespmem:s2+$0xFFFFFF80] =	vst v60;
	v6 =	vmax.f32 v6, $0.0e+00;
	v4 =	vadd.f32 v4, v59;
	v5 =	vadd.f32 v5, v2  }
.Ltmp7:
0xb1: {  	[tilespmem:s2+$0x0] =	vst v6;
	v62 =	vadd.f32 v7, v2;
	v63 =	vmax.f32 v61, $0.0e+00;
	(pc) =	sbr.rel @p0 .LBB2_6-.Ltmp7, $4  }
0xb2: {  	v4 =	vadd.f32 v4, v2;
	v5 =	vmax.f32 v5, $0.0e+00;
	[tilespmem:s25+$0x80] =	vst v63  }
0xb3: {  	[tilespmem:s25+$0xFFFFFF00] =	vst v5;
	v5 =	vmax.f32 v62, $0.0e+00  }
0xb4: {  	v4 =	vmax.f32 v4, $0.0e+00;
	[tilespmem:s25+$0xFFFFFF80] =	vst v5  }
0xb5: {  	s7 =	sadd.s32 $0x800, s7;
	[tilespmem:s25+$0x0] =	vst v4  }
.Ltmp8:
0xb6: {  	(pc) =	sbr.rel .LBB2_10-.Ltmp8, $3  }
0xb7: {  	_ =	sdelay $0x1  }
0xb8: {  	s2 =	sadd.s32 $0x1400, s22  }
0xb9: {  	[spmem:s5] =	stream.indirect.scatter.add.f32 [tilespmem:s4], [sflag:$0x2], $0x80, s2, s30, $0xb8;
	[tilespmem:$0x1FD00] =	vst v63  }
.LBB2_12:
0xba: {  	_ =	sfence.sel $0x180000  }
0xbb: {  	[bflag:$0x0] =	sbarrier.arrive $0xFFFF  }
0xbc: {  	_ =	strace $0x90000047  }
0xbd: {  	s0 =	stileid.u32;
	[bflag:$0x2] =	sbarrier.arrive $0xFFFF  }
0xbe: {  	p0 =	sne.s32 s0, $0x0;
	s0 =	rddreg [dreg:$0x8]  }
0xbf: {  	s0 =	sadd.s32 @!p0 $0x100000, s0  }
0xc0: {  	[sflag:s0] =	ssyncadd.tile.s32 @!p0 $0x1;
	_ =	shalt  }
.Lfunc_end2:
_tile_overlayer_lowered:
.L_overlay_start_2:
0xc1: {  	(tag) =	ssettag $0x2  }
0xc2: {  	s0 =	rddreg [dreg:$0x0];
	s2 =	stileid.u32  }
0xc3: {  	s1 =	rddreg [dreg:$0x1];
	p0 =	sne.s32 s2, $0x0  }
0xc4: {  	s3 =	rddreg [dreg:$0x2];
	[bflag:$0x3] =	sbarrier.arrive $0xFFFF;
	s2 =	simm.s32 @!p0 $0x1C03  }
0xc5: {  	[timem:s3], [sflag:s2] =	dma.local @!p0 [hbm:s0], s1  }
0xc6: {  	s0 =	simm.s32 @!p0 $0x3  }
0xc7: {  	_ =	swait.ge @!p0 [sflag:s0], s1  }
0xc8: {  	s1 =	ssub.s32 @!p0 $0x0, s1;
	[sflag:s0] =	ssyncset.done @!p0 $0x0  }
0xc9: {  	[sflag:s0] =	ssyncadd.s32 @!p0 s1  }
0xca: {  	[bflag:$0x3] =	sbarrier.arrive $0xFFFF  }
0xcb: {  	_ =	shalt  }

</sc_bundles>
